<compile_context>
chip_gen: v7x
topology: tpu7x:2x2x1
jax: 0.10.2.dev20260603
libtpu: 0.0.44.dev20260713+nightly
codegen_flags: <defaults>
</compile_context>

<pallas_src>
import functools
import math

import jax
import jax.numpy as jnp
from jax import lax
from jax.experimental import pallas as pl
from jax.experimental.pallas import tpu as pltpu
from jax.experimental.pallas import tpu_sc as plsc

D = 768
HEAD_DIM = 64
HALF = HEAD_DIM // 2
THETA = 10000.0
MASK_VAL = -2.3819763e+38
SCALE = float(D) ** 0.5

NW = 32
CHUNK = 32
NBUF = 5
LEAD = NBUF - 2
LANES = 16


UNROLL = 16


def _scale_rows(rows_ref):
    def row_body(r, carry):
        @plsc.parallel_loop(0, D // LANES, unroll=UNROLL)
        def _(j):
            sl = pl.ds(j * LANES, LANES)
            rows_ref[r, sl] = rows_ref[r, sl] * SCALE

        return carry

    lax.fori_loop(0, CHUNK, row_body, 0)


def _gather_body(bsz, seq, table_hbm, ids_hbm, out_hbm, idx_all, *bufs_sems):
    rows = bufs_sems[:NBUF]
    gsems = bufs_sems[NBUF:2 * NBUF]
    ssems = bufs_sems[2 * NBUF:3 * NBUF]
    b_per_w = (bsz * seq) // NW
    n_chunks = b_per_w // CHUNK
    wid = lax.axis_index("s") * 2 + lax.axis_index("c")
    base = wid * b_per_w
    bidx = base // seq
    loff0 = base % seq

    pltpu.sync_copy(ids_hbm.at[bidx, pl.ds(loff0, b_per_w)], idx_all)

    hg = {}
    hs = {}

    def issue_gather(c):
        b = c % NBUF
        idx = idx_all.at[pl.ds(c * CHUNK, CHUNK)]
        hg[c] = pltpu.async_copy(table_hbm.at[idx], rows[b], gsems[b])

    def issue_store(c):
        b = c % NBUF
        loff = pl.multiple_of(loff0 + c * CHUNK, CHUNK)
        hs[c] = pltpu.async_copy(rows[b], out_hbm.at[bidx, pl.ds(loff, CHUNK)],
                                 ssems[b])

    for c in range(min(LEAD, n_chunks)):
        issue_gather(c)
    for c in range(n_chunks):
        hg.pop(c).wait()
        nxt = c + LEAD
        if nxt < n_chunks:
            if nxt - NBUF >= 0:
                hs.pop(nxt - NBUF).wait()
            issue_gather(nxt)
        _scale_rows(rows[c % NBUF])
        issue_store(c)
    for c in sorted(hs):
        hs.pop(c).wait()


def _sc_gather(weight, input_ids):
    bsz, seq = input_ids.shape
    n_ids = bsz * seq
    b_per_w = n_ids // NW
    mesh = plsc.VectorSubcoreMesh(core_axis_name="c", subcore_axis_name="s")
    scratch = [pltpu.VMEM((b_per_w,), jnp.int32)]
    scratch += [pltpu.VMEM((CHUNK, D), jnp.float32) for _ in range(NBUF)]
    scratch += [pltpu.SemaphoreType.DMA for _ in range(2 * NBUF)]
    k = functools.partial(
        pl.kernel,
        mesh=mesh,
        out_type=jax.ShapeDtypeStruct((bsz, seq, D), jnp.float32),
        scratch_types=scratch,
    )(functools.partial(_gather_body, bsz, seq))
    return k(weight, input_ids.astype(jnp.int32))


def _maskfreq_body(seq_len, mrows, lab_in, mask_ref, cos_ref, sin_ref,
                   lab_out):
    i = pl.program_id(0)
    lab_out[...] = lab_in[...]
    r0 = i * mrows
    row = lax.broadcasted_iota(jnp.int32, (mrows, seq_len), 0) + r0
    col = lax.broadcasted_iota(jnp.int32, (mrows, seq_len), 1)
    mask_ref[0, 0] = jnp.where(col > row, jnp.float32(MASK_VAL),
                               jnp.float32(0.0))
    t = (lax.broadcasted_iota(jnp.int32, (mrows, HALF), 0) + r0
         ).astype(jnp.float32)
    kk = lax.broadcasted_iota(jnp.int32, (mrows, HALF), 1).astype(jnp.float32)
    log_theta = jnp.float32(math.log(THETA))
    ang = t * jnp.exp(kk * (jnp.float32(1.0 / HALF)) * (-log_theta))
    cos_ref[...] = jnp.cos(ang)
    sin_ref[...] = jnp.sin(ang)


def _tc_mask_freqs(seq_len, labels):
    mrows = 256
    bsz = labels.shape[0]
    body = functools.partial(_maskfreq_body, seq_len, mrows)
    return pl.pallas_call(
        body,
        grid=(seq_len // mrows,),
        in_specs=(pl.BlockSpec((bsz, seq_len), lambda i: (0, 0)),),
        out_shape=(
            jax.ShapeDtypeStruct((1, 1, seq_len, seq_len), jnp.float32),
            jax.ShapeDtypeStruct((seq_len, HALF), jnp.float32),
            jax.ShapeDtypeStruct((seq_len, HALF), jnp.float32),
            jax.ShapeDtypeStruct((bsz, seq_len), labels.dtype),
        ),
        out_specs=(
            pl.BlockSpec((1, 1, mrows, seq_len), lambda i: (0, 0, i, 0)),
            pl.BlockSpec((mrows, HALF), lambda i: (i, 0)),
            pl.BlockSpec((mrows, HALF), lambda i: (i, 0)),
            pl.BlockSpec((bsz, seq_len), lambda i: (0, 0)),
        ),
    )(labels)


def kernel(weight, input_ids, labels):
    b, s = input_ids.shape
    hidden = _sc_gather(weight, input_ids)
    mask, cos, sin, lab_out = _tc_mask_freqs(s, labels)
    freqs_cis = jax.lax.complex(cos, sin)
    return (hidden, freqs_cis, mask, lab_out)

# --- scband reference (transcript-rebuilt; emitter-appended) ---
"""Pipeline reference for scband-embedding-pipeline-layer-7275674600412 (READ-ONLY COPY).

The authoritative reference and input builder live on the scoring server;
editing this copy changes nothing except your own understanding.
"""

import jax, jax.numpy as jnp
import numpy as np

VOCAB = 100000
D = 768
HEAD_DIM = 64
B = 4
S = 2048
THETA = 10000.0
TRAIN_PI = 1.0


def precompute_freqs_cis(dim, end, theta=10000.0, train_pi=1.0):
    freqs = 1.0 / (theta ** (jnp.arange(0, dim, 2)[: dim // 2].astype(jnp.float32) / dim))
    t = jnp.arange(end, dtype=jnp.float32) / train_pi
    ang = jnp.outer(t, freqs)
    # torch.polar(ones, ang) == cos(ang) + i*sin(ang)
    return jax.lax.complex(jnp.cos(ang), jnp.sin(ang))


def get_masks(seq_len, dtype=jnp.float32):
    attention_mask = jnp.full((1, 1, seq_len, seq_len), -2.3819763e+38, dtype=jnp.float32)
    attention_mask = jnp.triu(attention_mask, k=1).astype(dtype)
    return attention_mask


def setup_inputs(seed: int = 0) -> dict:
    key = jax.random.key(seed)
    k_w, k_ids, k_lab = jax.random.split(key, 3)
    weight = jax.random.normal(k_w, (VOCAB, D), dtype=jnp.float32) * 0.02
    input_ids = jax.random.randint(k_ids, (B, S), 0, VOCAB, dtype=jnp.int64)
    labels = jax.random.randint(k_lab, (B, S), 0, VOCAB, dtype=jnp.int64)
    return {"weight": weight, "input_ids": input_ids, "labels": labels}


def reference(weight, input_ids, labels):
    # hidden_states = F.embedding(input_ids, weight)
    hidden_states = jnp.take(weight, input_ids, axis=0)
    # hidden_states = hidden_states * hidden_size ** 0.5
    hidden_states = hidden_states * (float(D) ** 0.5)
    seq_len = input_ids.shape[1]
    attention_mask = get_masks(seq_len, dtype=hidden_states.dtype)
    freqs_cis = precompute_freqs_cis(HEAD_DIM, seq_len, theta=THETA, train_pi=TRAIN_PI)
    return (hidden_states, freqs_cis, attention_mask, labels)

if __name__ == "__main__":
    import jax
    _d = setup_inputs()
    print(jax.jit(kernel)(*tuple(_d.values())))

</pallas_src>

<mosaic_0001>
#map = affine_map<(d0, d1) -> (0, 0)>
#map1 = affine_map<(d0, d1) -> (0, 0, 0)>
module attributes {stable_mosaic.version = 14 : i64} {
  func.func @_gather_body(%arg0: i32, %arg1: i32, %arg2: memref<100000x768xf32, #tpu.memory_space<hbm>>, %arg3: memref<4x2048xi32, #tpu.memory_space<hbm>>, %arg4: memref<4x2048x768xf32, #tpu.memory_space<hbm>>, %arg5: memref<256xi32, #tpu.memory_space<vmem>>, %arg6: memref<32x768xf32, #tpu.memory_space<vmem>>, %arg7: memref<32x768xf32, #tpu.memory_space<vmem>>, %arg8: memref<32x768xf32, #tpu.memory_space<vmem>>, %arg9: memref<32x768xf32, #tpu.memory_space<vmem>>, %arg10: memref<32x768xf32, #tpu.memory_space<vmem>>, %arg11: memref<!tpu.dma_semaphore, #tpu.memory_space<semaphore_mem>>, %arg12: memref<!tpu.dma_semaphore, #tpu.memory_space<semaphore_mem>>, %arg13: memref<!tpu.dma_semaphore, #tpu.memory_space<semaphore_mem>>, %arg14: memref<!tpu.dma_semaphore, #tpu.memory_space<semaphore_mem>>, %arg15: memref<!tpu.dma_semaphore, #tpu.memory_space<semaphore_mem>>, %arg16: memref<!tpu.dma_semaphore, #tpu.memory_space<semaphore_mem>>, %arg17: memref<!tpu.dma_semaphore, #tpu.memory_space<semaphore_mem>>, %arg18: memref<!tpu.dma_semaphore, #tpu.memory_space<semaphore_mem>>, %arg19: memref<!tpu.dma_semaphore, #tpu.memory_space<semaphore_mem>>, %arg20: memref<!tpu.dma_semaphore, #tpu.memory_space<semaphore_mem>>) attributes {dimension_semantics = [#tpu.dimension_semantics<core_parallel>, #tpu.dimension_semantics<subcore_parallel>], iteration_bounds = array<i64: 2, 16>, scalar_prefetch = 0 : i64, scratch_operands = 16 : i64, tpu.core_type = #tpu.core_type<sc_vector_subcore>, window_params = [{transform_indices = #map}, {transform_indices = #map}, {transform_indices = #map1}]} {
    %mul3A = arith.constant 2 : i32
    %mul3A_0 = arith.muli %arg1, %mul3A : i32
    %add3A = arith.addi %mul3A_0, %arg0 : i32
    %mul3A_1 = arith.constant 256 : i32
    %mul3A_2 = arith.muli %add3A, %mul3A_1 : i32
    %jit3A = arith.constant 2048 : i32
    %div3A = arith.divsi %mul3A_2, %jit3A : i32
    %sign3A = arith.constant 0 : i32
    %sign3A_3 = arith.cmpi sgt, %mul3A_2, %sign3A : i32
    %sign3A_4 = arith.extui %sign3A_3 : i1 to i32
    %sign3A_5 = arith.constant 0 : i32
    %sign3A_6 = arith.cmpi slt, %mul3A_2, %sign3A_5 : i32
    %sign3A_7 = arith.extui %sign3A_6 : i1 to i32
    %sign3A_8 = arith.subi %sign3A_4, %sign3A_7 : i32
    %sign3A_9 = arith.constant 0 : i32
    %sign3A_10 = arith.cmpi sgt, %jit3A, %sign3A_9 : i32
    %sign3A_11 = arith.extui %sign3A_10 : i1 to i32
    %sign3A_12 = arith.constant 0 : i32
    %sign3A_13 = arith.cmpi slt, %jit3A, %sign3A_12 : i32
    %sign3A_14 = arith.extui %sign3A_13 : i1 to i32
    %sign3A_15 = arith.subi %sign3A_11, %sign3A_14 : i32
    %ne3A = arith.cmpi ne, %sign3A_8, %sign3A_15 : i32
    %rem3A = arith.remsi %mul3A_2, %jit3A : i32
    %ne3A_16 = arith.constant 0 : i32
    %ne3A_17 = arith.cmpi ne, %rem3A, %ne3A_16 : i32
    %and3A = arith.andi %ne3A, %ne3A_17 : i1
    %sub3A = arith.constant 1 : i32
    %sub3A_18 = arith.subi %div3A, %sub3A : i32
    %select_n3A = arith.select %and3A, %sub3A_18, %div3A : i32
    %jit3A_19 = arith.constant 2048 : i32
    %eq3A = arith.constant 0 : i32
    %eq3A_20 = arith.cmpi eq, %jit3A_19, %eq3A : i32
    %jit3A_21 = arith.constant 1 : i32
    %select_n3A_22 = arith.select %eq3A_20, %jit3A_21, %jit3A_19 : i32
    %rem3A_23 = arith.remsi %mul3A_2, %select_n3A_22 : i32
    %ne3A_24 = arith.constant 0 : i32
    %ne3A_25 = arith.cmpi ne, %rem3A_23, %ne3A_24 : i32
    %lt3A = arith.constant 0 : i32
    %lt3A_26 = arith.cmpi slt, %rem3A_23, %lt3A : i32
    %lt3A_27 = arith.constant 0 : i32
    %lt3A_28 = arith.cmpi slt, %select_n3A_22, %lt3A_27 : i32
    %ne3A_29 = arith.xori %lt3A_26, %lt3A_28 : i1
    %and3A_30 = arith.andi %ne3A_29, %ne3A_25 : i1
    %add3A_31 = arith.addi %rem3A_23, %select_n3A_22 : i32
    %select_n3A_32 = arith.select %and3A_30, %add3A_31, %rem3A_23 : i32
    "tpu.region"() ({
      %run_scoped3A = tpu.sem_alloc : memref<!tpu.dma_semaphore, #tpu.memory_space<semaphore_mem>>
      %dma_start3A_277 = tpu.memref_slice %arg3[%select_n3A, %select_n3A_32] : memref<4x2048xi32, #tpu.memory_space<hbm>> -> memref<1x256xi32, #tpu.memory_space<hbm>>
      %dma_start3A_278 = tpu.memref_squeeze %dma_start3A_277 : memref<1x256xi32, #tpu.memory_space<hbm>> -> memref<256xi32, #tpu.memory_space<hbm>>
      %dma_start3A_279 = tpu.memref_slice %arg3[%select_n3A, %select_n3A_32] : memref<4x2048xi32, #tpu.memory_space<hbm>> -> memref<1x256xi32, #tpu.memory_space<hbm>>
      %dma_start3A_280 = tpu.memref_squeeze %dma_start3A_279 : memref<1x256xi32, #tpu.memory_space<hbm>> -> memref<256xi32, #tpu.memory_space<hbm>>
      tpu.enqueue_dma source(%dma_start3A_280 : memref<256xi32, #tpu.memory_space<hbm>>) target(%arg5 : memref<256xi32, #tpu.memory_space<vmem>>) target_semaphore(%run_scoped3A : memref<!tpu.dma_semaphore, #tpu.memory_space<semaphore_mem>>)
      %dma_wait3A_281 = tpu.memref_slice %arg3[%select_n3A, %select_n3A_32] : memref<4x2048xi32, #tpu.memory_space<hbm>> -> memref<1x256xi32, #tpu.memory_space<hbm>>
      %dma_wait3A_282 = tpu.memref_squeeze %dma_wait3A_281 : memref<1x256xi32, #tpu.memory_space<hbm>> -> memref<256xi32, #tpu.memory_space<hbm>>
      %dma_wait3A_283 = tpu.memref_slice %arg3[%select_n3A, %select_n3A_32] : memref<4x2048xi32, #tpu.memory_space<hbm>> -> memref<1x256xi32, #tpu.memory_space<hbm>>
      %dma_wait3A_284 = tpu.memref_squeeze %dma_wait3A_283 : memref<1x256xi32, #tpu.memory_space<hbm>> -> memref<256xi32, #tpu.memory_space<hbm>>
      tpu.wait_dma2 semaphore(%run_scoped3A : memref<!tpu.dma_semaphore, #tpu.memory_space<semaphore_mem>>) src(%dma_wait3A_284 : memref<256xi32, #tpu.memory_space<hbm>>) dst(%arg5 : memref<256xi32, #tpu.memory_space<vmem>>)
      tpu.yield
    }) : () -> ()
    %dma_start3A = arith.constant 0 : i32
    %dma_start3A_33 = tpu.memref_slice %arg5[%dma_start3A] : memref<256xi32, #tpu.memory_space<vmem>> -> memref<32xi32, #tpu.memory_space<vmem>>
    %dma_start3A_34 = arith.constant 0 : i32
    %dma_start3A_35 = arith.constant 0 : i32
    %dma_start3A_36 = tpu.memref_slice %arg2[%dma_start3A_34, %dma_start3A_35] : memref<100000x768xf32, #tpu.memory_space<hbm>> -> memref<100000x768xf32, #tpu.memory_space<hbm>>
    tpu.enqueue_indirect_dma source(%dma_start3A_36 : memref<100000x768xf32, #tpu.memory_space<hbm>>) target(%arg6 : memref<32x768xf32, #tpu.memory_space<vmem>>) offsets(%dma_start3A_33 : memref<32xi32, #tpu.memory_space<vmem>>) semaphore(%arg11 : memref<!tpu.dma_semaphore, #tpu.memory_space<semaphore_mem>>)
    %dma_start3A_37 = arith.constant 32 : i32
    %dma_start3A_38 = tpu.memref_slice %arg5[%dma_start3A_37] : memref<256xi32, #tpu.memory_space<vmem>> -> memref<32xi32, #tpu.memory_space<vmem>>
    %dma_start3A_39 = arith.constant 0 : i32
    %dma_start3A_40 = arith.constant 0 : i32
    %dma_start3A_41 = tpu.memref_slice %arg2[%dma_start3A_39, %dma_start3A_40] : memref<100000x768xf32, #tpu.memory_space<hbm>> -> memref<100000x768xf32, #tpu.memory_space<hbm>>
    tpu.enqueue_indirect_dma source(%dma_start3A_41 : memref<100000x768xf32, #tpu.memory_space<hbm>>) target(%arg7 : memref<32x768xf32, #tpu.memory_space<vmem>>) offsets(%dma_start3A_38 : memref<32xi32, #tpu.memory_space<vmem>>) semaphore(%arg12 : memref<!tpu.dma_semaphore, #tpu.memory_space<semaphore_mem>>)
    %dma_start3A_42 = arith.constant 64 : i32
    %dma_start3A_43 = tpu.memref_slice %arg5[%dma_start3A_42] : memref<256xi32, #tpu.memory_space<vmem>> -> memref<32xi32, #tpu.memory_space<vmem>>
    %dma_start3A_44 = arith.constant 0 : i32
    %dma_start3A_45 = arith.constant 0 : i32
    %dma_start3A_46 = tpu.memref_slice %arg2[%dma_start3A_44, %dma_start3A_45] : memref<100000x768xf32, #tpu.memory_space<hbm>> -> memref<100000x768xf32, #tpu.memory_space<hbm>>
    tpu.enqueue_indirect_dma source(%dma_start3A_46 : memref<100000x768xf32, #tpu.memory_space<hbm>>) target(%arg8 : memref<32x768xf32, #tpu.memory_space<vmem>>) offsets(%dma_start3A_43 : memref<32xi32, #tpu.memory_space<vmem>>) semaphore(%arg13 : memref<!tpu.dma_semaphore, #tpu.memory_space<semaphore_mem>>)
    %dma_wait3A = arith.constant 0 : i32
    %dma_wait3A_47 = tpu.memref_slice %arg5[%dma_wait3A] : memref<256xi32, #tpu.memory_space<vmem>> -> memref<32xi32, #tpu.memory_space<vmem>>
    %dma_wait3A_48 = arith.constant 0 : i32
    %dma_wait3A_49 = arith.constant 0 : i32
    %dma_wait3A_50 = tpu.memref_slice %arg2[%dma_wait3A_48, %dma_wait3A_49] : memref<100000x768xf32, #tpu.memory_space<hbm>> -> memref<100000x768xf32, #tpu.memory_space<hbm>>
    tpu.wait_indirect_dma semaphore(%arg11 : memref<!tpu.dma_semaphore, #tpu.memory_space<semaphore_mem>>) src(%dma_wait3A_50 : memref<100000x768xf32, #tpu.memory_space<hbm>>) dst(%arg6 : memref<32x768xf32, #tpu.memory_space<vmem>>)
    %dma_start3A_51 = arith.constant 96 : i32
    %dma_start3A_52 = tpu.memref_slice %arg5[%dma_start3A_51] : memref<256xi32, #tpu.memory_space<vmem>> -> memref<32xi32, #tpu.memory_space<vmem>>
    %dma_start3A_53 = arith.constant 0 : i32
    %dma_start3A_54 = arith.constant 0 : i32
    %dma_start3A_55 = tpu.memref_slice %arg2[%dma_start3A_53, %dma_start3A_54] : memref<100000x768xf32, #tpu.memory_space<hbm>> -> memref<100000x768xf32, #tpu.memory_space<hbm>>
    tpu.enqueue_indirect_dma source(%dma_start3A_55 : memref<100000x768xf32, #tpu.memory_space<hbm>>) target(%arg9 : memref<32x768xf32, #tpu.memory_space<vmem>>) offsets(%dma_start3A_52 : memref<32xi32, #tpu.memory_space<vmem>>) semaphore(%arg14 : memref<!tpu.dma_semaphore, #tpu.memory_space<semaphore_mem>>)
    %scan3A = arith.constant 0 : i32
    %scan3A_56 = arith.constant 0 : i32
    %scan3A_57 = arith.constant 32 : i32
    %scan3A_58 = arith.addi %scan3A_56, %scan3A_57 : i32
    %scan3A_59 = arith.constant 1 : i32
    scf.for %scan3A_277 = %scan3A_56 to %scan3A_58 step %scan3A_59  : i32 {
      %parallel_loop3A = arith.constant 0 : i32
      %parallel_loop3A_278 = arith.constant 48 : i32
      %parallel_loop3A_279 = arith.constant 1 : i32
      scf.for %parallel_loop3A_280 = %parallel_loop3A to %parallel_loop3A_278 step %parallel_loop3A_279  : i32 {
        %parallel_loop3A_281 = arith.constant 16 : i32
        %parallel_loop3A_282 = arith.muli %parallel_loop3A_280, %parallel_loop3A_281 : i32
        %parallel_loop3A_283 = arith.index_cast %scan3A_277 : i32 to index
        %parallel_loop3A_284 = arith.index_cast %parallel_loop3A_282 : i32 to index
        %parallel_loop3A_285 = tpu.vector_load %arg6[%parallel_loop3A_283, %parallel_loop3A_284] {strides = array<i32>} : memref<32x768xf32, #tpu.memory_space<vmem>>, vector<1x16xf32>,
        %parallel_loop3A_286 = vector.shape_cast %parallel_loop3A_285 : vector<1x16xf32> to vector<16xf32>
        %parallel_loop3A_287 = arith.constant 27.7128124 : f32
        %parallel_loop3A_288 = vector.broadcast %parallel_loop3A_287 : f32 to vector<16xf32>
        %parallel_loop3A_289 = arith.mulf %parallel_loop3A_286, %parallel_loop3A_288 : vector<16xf32>
        %parallel_loop3A_290 = arith.index_cast %scan3A_277 : i32 to index
        %parallel_loop3A_291 = arith.index_cast %parallel_loop3A_282 : i32 to index
        %parallel_loop3A_292 = tpu.vector_load %arg6[%parallel_loop3A_290, %parallel_loop3A_291] {strides = array<i32>} : memref<32x768xf32, #tpu.memory_space<vmem>>, vector<1x16xf32>,
        %parallel_loop3A_293 = vector.shape_cast %parallel_loop3A_292 : vector<1x16xf32> to vector<16xf32>
        %parallel_loop3A_294 = vector.shape_cast %parallel_loop3A_289 : vector<16xf32> to vector<1x16xf32>
        tpu.vector_store %arg6[%parallel_loop3A_290, %parallel_loop3A_291], %parallel_loop3A_294 {strides = array<i32>} : memref<32x768xf32, #tpu.memory_space<vmem>>, vector<1x16xf32>,
      } {sc.loop_unroll_factor = 16 : i64, sc.parallel_access}
    }
    %scan3A_60 = arith.constant 32 : i32
    %add3A_61 = arith.constant 0 : i32
    %add3A_62 = arith.addi %select_n3A_32, %add3A_61 : i32
    %multiple_of3A = tpu.assume_multiple %add3A_62, 32 : i32
    %dma_start3A_63 = arith.constant 0 : i32
    %dma_start3A_64 = tpu.memref_slice %arg4[%select_n3A, %multiple_of3A, %dma_start3A_63] : memref<4x2048x768xf32, #tpu.memory_space<hbm>> -> memref<1x32x768xf32, #tpu.memory_space<hbm>>
    %dma_start3A_65 = tpu.memref_squeeze %dma_start3A_64 : memref<1x32x768xf32, #tpu.memory_space<hbm>> -> memref<32x768xf32, #tpu.memory_space<hbm>>
    %dma_start3A_66 = arith.constant 0 : i32
    %dma_start3A_67 = tpu.memref_slice %arg4[%select_n3A, %multiple_of3A, %dma_start3A_66] : memref<4x2048x768xf32, #tpu.memory_space<hbm>> -> memref<1x32x768xf32, #tpu.memory_space<hbm>>
    %dma_start3A_68 = tpu.memref_squeeze %dma_start3A_67 : memref<1x32x768xf32, #tpu.memory_space<hbm>> -> memref<32x768xf32, #tpu.memory_space<hbm>>
    tpu.enqueue_dma source(%arg6 : memref<32x768xf32, #tpu.memory_space<vmem>>) target(%dma_start3A_68 : memref<32x768xf32, #tpu.memory_space<hbm>>) target_semaphore(%arg16 : memref<!tpu.dma_semaphore, #tpu.memory_space<semaphore_mem>>)
    %dma_wait3A_69 = arith.constant 32 : i32
    %dma_wait3A_70 = tpu.memref_slice %arg5[%dma_wait3A_69] : memref<256xi32, #tpu.memory_space<vmem>> -> memref<32xi32, #tpu.memory_space<vmem>>
    %dma_wait3A_71 = arith.constant 0 : i32
    %dma_wait3A_72 = arith.constant 0 : i32
    %dma_wait3A_73 = tpu.memref_slice %arg2[%dma_wait3A_71, %dma_wait3A_72] : memref<100000x768xf32, #tpu.memory_space<hbm>> -> memref<100000x768xf32, #tpu.memory_space<hbm>>
    tpu.wait_indirect_dma semaphore(%arg12 : memref<!tpu.dma_semaphore, #tpu.memory_space<semaphore_mem>>) src(%dma_wait3A_73 : memref<100000x768xf32, #tpu.memory_space<hbm>>) dst(%arg7 : memref<32x768xf32, #tpu.memory_space<vmem>>)
    %dma_start3A_74 = arith.constant 128 : i32
    %dma_start3A_75 = tpu.memref_slice %arg5[%dma_start3A_74] : memref<256xi32, #tpu.memory_space<vmem>> -> memref<32xi32, #tpu.memory_space<vmem>>
    %dma_start3A_76 = arith.constant 0 : i32
    %dma_start3A_77 = arith.constant 0 : i32
    %dma_start3A_78 = tpu.memref_slice %arg2[%dma_start3A_76, %dma_start3A_77] : memref<100000x768xf32, #tpu.memory_space<hbm>> -> memref<100000x768xf32, #tpu.memory_space<hbm>>
    tpu.enqueue_indirect_dma source(%dma_start3A_78 : memref<100000x768xf32, #tpu.memory_space<hbm>>) target(%arg10 : memref<32x768xf32, #tpu.memory_space<vmem>>) offsets(%dma_start3A_75 : memref<32xi32, #tpu.memory_space<vmem>>) semaphore(%arg15 : memref<!tpu.dma_semaphore, #tpu.memory_space<semaphore_mem>>)
    %scan3A_79 = arith.constant 0 : i32
    %scan3A_80 = arith.constant 0 : i32
    %scan3A_81 = arith.constant 32 : i32
    %scan3A_82 = arith.addi %scan3A_80, %scan3A_81 : i32
    %scan3A_83 = arith.constant 1 : i32
    scf.for %scan3A_277 = %scan3A_80 to %scan3A_82 step %scan3A_83  : i32 {
      %parallel_loop3A = arith.constant 0 : i32
      %parallel_loop3A_278 = arith.constant 48 : i32
      %parallel_loop3A_279 = arith.constant 1 : i32
      scf.for %parallel_loop3A_280 = %parallel_loop3A to %parallel_loop3A_278 step %parallel_loop3A_279  : i32 {
        %parallel_loop3A_281 = arith.constant 16 : i32
        %parallel_loop3A_282 = arith.muli %parallel_loop3A_280, %parallel_loop3A_281 : i32
        %parallel_loop3A_283 = arith.index_cast %scan3A_277 : i32 to index
        %parallel_loop3A_284 = arith.index_cast %parallel_loop3A_282 : i32 to index
        %parallel_loop3A_285 = tpu.vector_load %arg7[%parallel_loop3A_283, %parallel_loop3A_284] {strides = array<i32>} : memref<32x768xf32, #tpu.memory_space<vmem>>, vector<1x16xf32>,
        %parallel_loop3A_286 = vector.shape_cast %parallel_loop3A_285 : vector<1x16xf32> to vector<16xf32>
        %parallel_loop3A_287 = arith.constant 27.7128124 : f32
        %parallel_loop3A_288 = vector.broadcast %parallel_loop3A_287 : f32 to vector<16xf32>
        %parallel_loop3A_289 = arith.mulf %parallel_loop3A_286, %parallel_loop3A_288 : vector<16xf32>
        %parallel_loop3A_290 = arith.index_cast %scan3A_277 : i32 to index
        %parallel_loop3A_291 = arith.index_cast %parallel_loop3A_282 : i32 to index
        %parallel_loop3A_292 = tpu.vector_load %arg7[%parallel_loop3A_290, %parallel_loop3A_291] {strides = array<i32>} : memref<32x768xf32, #tpu.memory_space<vmem>>, vector<1x16xf32>,
        %parallel_loop3A_293 = vector.shape_cast %parallel_loop3A_292 : vector<1x16xf32> to vector<16xf32>
        %parallel_loop3A_294 = vector.shape_cast %parallel_loop3A_289 : vector<16xf32> to vector<1x16xf32>
        tpu.vector_store %arg7[%parallel_loop3A_290, %parallel_loop3A_291], %parallel_loop3A_294 {strides = array<i32>} : memref<32x768xf32, #tpu.memory_space<vmem>>, vector<1x16xf32>,
      } {sc.loop_unroll_factor = 16 : i64, sc.parallel_access}
    }
    %scan3A_84 = arith.constant 32 : i32
    %add3A_85 = arith.constant 32 : i32
    %add3A_86 = arith.addi %select_n3A_32, %add3A_85 : i32
    %multiple_of3A_87 = tpu.assume_multiple %add3A_86, 32 : i32
    %dma_start3A_88 = arith.constant 0 : i32
    %dma_start3A_89 = tpu.memref_slice %arg4[%select_n3A, %multiple_of3A_87, %dma_start3A_88] : memref<4x2048x768xf32, #tpu.memory_space<hbm>> -> memref<1x32x768xf32, #tpu.memory_space<hbm>>
    %dma_start3A_90 = tpu.memref_squeeze %dma_start3A_89 : memref<1x32x768xf32, #tpu.memory_space<hbm>> -> memref<32x768xf32, #tpu.memory_space<hbm>>
    %dma_start3A_91 = arith.constant 0 : i32
    %dma_start3A_92 = tpu.memref_slice %arg4[%select_n3A, %multiple_of3A_87, %dma_start3A_91] : memref<4x2048x768xf32, #tpu.memory_space<hbm>> -> memref<1x32x768xf32, #tpu.memory_space<hbm>>
    %dma_start3A_93 = tpu.memref_squeeze %dma_start3A_92 : memref<1x32x768xf32, #tpu.memory_space<hbm>> -> memref<32x768xf32, #tpu.memory_space<hbm>>
    tpu.enqueue_dma source(%arg7 : memref<32x768xf32, #tpu.memory_space<vmem>>) target(%dma_start3A_93 : memref<32x768xf32, #tpu.memory_space<hbm>>) target_semaphore(%arg17 : memref<!tpu.dma_semaphore, #tpu.memory_space<semaphore_mem>>)
    %dma_wait3A_94 = arith.constant 64 : i32
    %dma_wait3A_95 = tpu.memref_slice %arg5[%dma_wait3A_94] : memref<256xi32, #tpu.memory_space<vmem>> -> memref<32xi32, #tpu.memory_space<vmem>>
    %dma_wait3A_96 = arith.constant 0 : i32
    %dma_wait3A_97 = arith.constant 0 : i32
    %dma_wait3A_98 = tpu.memref_slice %arg2[%dma_wait3A_96, %dma_wait3A_97] : memref<100000x768xf32, #tpu.memory_space<hbm>> -> memref<100000x768xf32, #tpu.memory_space<hbm>>
    tpu.wait_indirect_dma semaphore(%arg13 : memref<!tpu.dma_semaphore, #tpu.memory_space<semaphore_mem>>) src(%dma_wait3A_98 : memref<100000x768xf32, #tpu.memory_space<hbm>>) dst(%arg8 : memref<32x768xf32, #tpu.memory_space<vmem>>)
    %dma_wait3A_99 = arith.constant 0 : i32
    %dma_wait3A_100 = tpu.memref_slice %arg4[%select_n3A, %multiple_of3A, %dma_wait3A_99] : memref<4x2048x768xf32, #tpu.memory_space<hbm>> -> memref<1x32x768xf32, #tpu.memory_space<hbm>>
    %dma_wait3A_101 = tpu.memref_squeeze %dma_wait3A_100 : memref<1x32x768xf32, #tpu.memory_space<hbm>> -> memref<32x768xf32, #tpu.memory_space<hbm>>
    %dma_wait3A_102 = arith.constant 0 : i32
    %dma_wait3A_103 = tpu.memref_slice %arg4[%select_n3A, %multiple_of3A, %dma_wait3A_102] : memref<4x2048x768xf32, #tpu.memory_space<hbm>> -> memref<1x32x768xf32, #tpu.memory_space<hbm>>
    %dma_wait3A_104 = tpu.memref_squeeze %dma_wait3A_103 : memref<1x32x768xf32, #tpu.memory_space<hbm>> -> memref<32x768xf32, #tpu.memory_space<hbm>>
    tpu.wait_dma2 semaphore(%arg16 : memref<!tpu.dma_semaphore, #tpu.memory_space<semaphore_mem>>) src(%arg6 : memref<32x768xf32, #tpu.memory_space<vmem>>) dst(%dma_wait3A_104 : memref<32x768xf32, #tpu.memory_space<hbm>>)
    %dma_start3A_105 = arith.constant 160 : i32
    %dma_start3A_106 = tpu.memref_slice %arg5[%dma_start3A_105] : memref<256xi32, #tpu.memory_space<vmem>> -> memref<32xi32, #tpu.memory_space<vmem>>
    %dma_start3A_107 = arith.constant 0 : i32
    %dma_start3A_108 = arith.constant 0 : i32
    %dma_start3A_109 = tpu.memref_slice %arg2[%dma_start3A_107, %dma_start3A_108] : memref<100000x768xf32, #tpu.memory_space<hbm>> -> memref<100000x768xf32, #tpu.memory_space<hbm>>
    tpu.enqueue_indirect_dma source(%dma_start3A_109 : memref<100000x768xf32, #tpu.memory_space<hbm>>) target(%arg6 : memref<32x768xf32, #tpu.memory_space<vmem>>) offsets(%dma_start3A_106 : memref<32xi32, #tpu.memory_space<vmem>>) semaphore(%arg11 : memref<!tpu.dma_semaphore, #tpu.memory_space<semaphore_mem>>)
    %scan3A_110 = arith.constant 0 : i32
    %scan3A_111 = arith.constant 0 : i32
    %scan3A_112 = arith.constant 32 : i32
    %scan3A_113 = arith.addi %scan3A_111, %scan3A_112 : i32
    %scan3A_114 = arith.constant 1 : i32
    scf.for %scan3A_277 = %scan3A_111 to %scan3A_113 step %scan3A_114  : i32 {
      %parallel_loop3A = arith.constant 0 : i32
      %parallel_loop3A_278 = arith.constant 48 : i32
      %parallel_loop3A_279 = arith.constant 1 : i32
      scf.for %parallel_loop3A_280 = %parallel_loop3A to %parallel_loop3A_278 step %parallel_loop3A_279  : i32 {
        %parallel_loop3A_281 = arith.constant 16 : i32
        %parallel_loop3A_282 = arith.muli %parallel_loop3A_280, %parallel_loop3A_281 : i32
        %parallel_loop3A_283 = arith.index_cast %scan3A_277 : i32 to index
        %parallel_loop3A_284 = arith.index_cast %parallel_loop3A_282 : i32 to index
        %parallel_loop3A_285 = tpu.vector_load %arg8[%parallel_loop3A_283, %parallel_loop3A_284] {strides = array<i32>} : memref<32x768xf32, #tpu.memory_space<vmem>>, vector<1x16xf32>,
        %parallel_loop3A_286 = vector.shape_cast %parallel_loop3A_285 : vector<1x16xf32> to vector<16xf32>
        %parallel_loop3A_287 = arith.constant 27.7128124 : f32
        %parallel_loop3A_288 = vector.broadcast %parallel_loop3A_287 : f32 to vector<16xf32>
        %parallel_loop3A_289 = arith.mulf %parallel_loop3A_286, %parallel_loop3A_288 : vector<16xf32>
        %parallel_loop3A_290 = arith.index_cast %scan3A_277 : i32 to index
        %parallel_loop3A_291 = arith.index_cast %parallel_loop3A_282 : i32 to index
        %parallel_loop3A_292 = tpu.vector_load %arg8[%parallel_loop3A_290, %parallel_loop3A_291] {strides = array<i32>} : memref<32x768xf32, #tpu.memory_space<vmem>>, vector<1x16xf32>,
        %parallel_loop3A_293 = vector.shape_cast %parallel_loop3A_292 : vector<1x16xf32> to vector<16xf32>
        %parallel_loop3A_294 = vector.shape_cast %parallel_loop3A_289 : vector<16xf32> to vector<1x16xf32>
        tpu.vector_store %arg8[%parallel_loop3A_290, %parallel_loop3A_291], %parallel_loop3A_294 {strides = array<i32>} : memref<32x768xf32, #tpu.memory_space<vmem>>, vector<1x16xf32>,
      } {sc.loop_unroll_factor = 16 : i64, sc.parallel_access}
    }
    %scan3A_115 = arith.constant 32 : i32
    %add3A_116 = arith.constant 64 : i32
    %add3A_117 = arith.addi %select_n3A_32, %add3A_116 : i32
    %multiple_of3A_118 = tpu.assume_multiple %add3A_117, 32 : i32
    %dma_start3A_119 = arith.constant 0 : i32
    %dma_start3A_120 = tpu.memref_slice %arg4[%select_n3A, %multiple_of3A_118, %dma_start3A_119] : memref<4x2048x768xf32, #tpu.memory_space<hbm>> -> memref<1x32x768xf32, #tpu.memory_space<hbm>>
    %dma_start3A_121 = tpu.memref_squeeze %dma_start3A_120 : memref<1x32x768xf32, #tpu.memory_space<hbm>> -> memref<32x768xf32, #tpu.memory_space<hbm>>
    %dma_start3A_122 = arith.constant 0 : i32
    %dma_start3A_123 = tpu.memref_slice %arg4[%select_n3A, %multiple_of3A_118, %dma_start3A_122] : memref<4x2048x768xf32, #tpu.memory_space<hbm>> -> memref<1x32x768xf32, #tpu.memory_space<hbm>>
    %dma_start3A_124 = tpu.memref_squeeze %dma_start3A_123 : memref<1x32x768xf32, #tpu.memory_space<hbm>> -> memref<32x768xf32, #tpu.memory_space<hbm>>
    tpu.enqueue_dma source(%arg8 : memref<32x768xf32, #tpu.memory_space<vmem>>) target(%dma_start3A_124 : memref<32x768xf32, #tpu.memory_space<hbm>>) target_semaphore(%arg18 : memref<!tpu.dma_semaphore, #tpu.memory_space<semaphore_mem>>)
    %dma_wait3A_125 = arith.constant 96 : i32
    %dma_wait3A_126 = tpu.memref_slice %arg5[%dma_wait3A_125] : memref<256xi32, #tpu.memory_space<vmem>> -> memref<32xi32, #tpu.memory_space<vmem>>
    %dma_wait3A_127 = arith.constant 0 : i32
    %dma_wait3A_128 = arith.constant 0 : i32
    %dma_wait3A_129 = tpu.memref_slice %arg2[%dma_wait3A_127, %dma_wait3A_128] : memref<100000x768xf32, #tpu.memory_space<hbm>> -> memref<100000x768xf32, #tpu.memory_space<hbm>>
    tpu.wait_indirect_dma semaphore(%arg14 : memref<!tpu.dma_semaphore, #tpu.memory_space<semaphore_mem>>) src(%dma_wait3A_129 : memref<100000x768xf32, #tpu.memory_space<hbm>>) dst(%arg9 : memref<32x768xf32, #tpu.memory_space<vmem>>)
    %dma_wait3A_130 = arith.constant 0 : i32
    %dma_wait3A_131 = tpu.memref_slice %arg4[%select_n3A, %multiple_of3A_87, %dma_wait3A_130] : memref<4x2048x768xf32, #tpu.memory_space<hbm>> -> memref<1x32x768xf32, #tpu.memory_space<hbm>>
    %dma_wait3A_132 = tpu.memref_squeeze %dma_wait3A_131 : memref<1x32x768xf32, #tpu.memory_space<hbm>> -> memref<32x768xf32, #tpu.memory_space<hbm>>
    %dma_wait3A_133 = arith.constant 0 : i32
    %dma_wait3A_134 = tpu.memref_slice %arg4[%select_n3A, %multiple_of3A_87, %dma_wait3A_133] : memref<4x2048x768xf32, #tpu.memory_space<hbm>> -> memref<1x32x768xf32, #tpu.memory_space<hbm>>
    %dma_wait3A_135 = tpu.memref_squeeze %dma_wait3A_134 : memref<1x32x768xf32, #tpu.memory_space<hbm>> -> memref<32x768xf32, #tpu.memory_space<hbm>>
    tpu.wait_dma2 semaphore(%arg17 : memref<!tpu.dma_semaphore, #tpu.memory_space<semaphore_mem>>) src(%arg7 : memref<32x768xf32, #tpu.memory_space<vmem>>) dst(%dma_wait3A_135 : memref<32x768xf32, #tpu.memory_space<hbm>>)
    %dma_start3A_136 = arith.constant 192 : i32
    %dma_start3A_137 = tpu.memref_slice %arg5[%dma_start3A_136] : memref<256xi32, #tpu.memory_space<vmem>> -> memref<32xi32, #tpu.memory_space<vmem>>
    %dma_start3A_138 = arith.constant 0 : i32
    %dma_start3A_139 = arith.constant 0 : i32
    %dma_start3A_140 = tpu.memref_slice %arg2[%dma_start3A_138, %dma_start3A_139] : memref<100000x768xf32, #tpu.memory_space<hbm>> -> memref<100000x768xf32, #tpu.memory_space<hbm>>
    tpu.enqueue_indirect_dma source(%dma_start3A_140 : memref<100000x768xf32, #tpu.memory_space<hbm>>) target(%arg7 : memref<32x768xf32, #tpu.memory_space<vmem>>) offsets(%dma_start3A_137 : memref<32xi32, #tpu.memory_space<vmem>>) semaphore(%arg12 : memref<!tpu.dma_semaphore, #tpu.memory_space<semaphore_mem>>)
    %scan3A_141 = arith.constant 0 : i32
    %scan3A_142 = arith.constant 0 : i32
    %scan3A_143 = arith.constant 32 : i32
    %scan3A_144 = arith.addi %scan3A_142, %scan3A_143 : i32
    %scan3A_145 = arith.constant 1 : i32
    scf.for %scan3A_277 = %scan3A_142 to %scan3A_144 step %scan3A_145  : i32 {
      %parallel_loop3A = arith.constant 0 : i32
      %parallel_loop3A_278 = arith.constant 48 : i32
      %parallel_loop3A_279 = arith.constant 1 : i32
      scf.for %parallel_loop3A_280 = %parallel_loop3A to %parallel_loop3A_278 step %parallel_loop3A_279  : i32 {
        %parallel_loop3A_281 = arith.constant 16 : i32
        %parallel_loop3A_282 = arith.muli %parallel_loop3A_280, %parallel_loop3A_281 : i32
        %parallel_loop3A_283 = arith.index_cast %scan3A_277 : i32 to index
        %parallel_loop3A_284 = arith.index_cast %parallel_loop3A_282 : i32 to index
        %parallel_loop3A_285 = tpu.vector_load %arg9[%parallel_loop3A_283, %parallel_loop3A_284] {strides = array<i32>} : memref<32x768xf32, #tpu.memory_space<vmem>>, vector<1x16xf32>,
        %parallel_loop3A_286 = vector.shape_cast %parallel_loop3A_285 : vector<1x16xf32> to vector<16xf32>
        %parallel_loop3A_287 = arith.constant 27.7128124 : f32
        %parallel_loop3A_288 = vector.broadcast %parallel_loop3A_287 : f32 to vector<16xf32>
        %parallel_loop3A_289 = arith.mulf %parallel_loop3A_286, %parallel_loop3A_288 : vector<16xf32>
        %parallel_loop3A_290 = arith.index_cast %scan3A_277 : i32 to index
        %parallel_loop3A_291 = arith.index_cast %parallel_loop3A_282 : i32 to index
        %parallel_loop3A_292 = tpu.vector_load %arg9[%parallel_loop3A_290, %parallel_loop3A_291] {strides = array<i32>} : memref<32x768xf32, #tpu.memory_space<vmem>>, vector<1x16xf32>,
        %parallel_loop3A_293 = vector.shape_cast %parallel_loop3A_292 : vector<1x16xf32> to vector<16xf32>
        %parallel_loop3A_294 = vector.shape_cast %parallel_loop3A_289 : vector<16xf32> to vector<1x16xf32>
        tpu.vector_store %arg9[%parallel_loop3A_290, %parallel_loop3A_291], %parallel_loop3A_294 {strides = array<i32>} : memref<32x768xf32, #tpu.memory_space<vmem>>, vector<1x16xf32>,
      } {sc.loop_unroll_factor = 16 : i64, sc.parallel_access}
    }
    %scan3A_146 = arith.constant 32 : i32
    %add3A_147 = arith.constant 96 : i32
    %add3A_148 = arith.addi %select_n3A_32, %add3A_147 : i32
    %multiple_of3A_149 = tpu.assume_multiple %add3A_148, 32 : i32
    %dma_start3A_150 = arith.constant 0 : i32
    %dma_start3A_151 = tpu.memref_slice %arg4[%select_n3A, %multiple_of3A_149, %dma_start3A_150] : memref<4x2048x768xf32, #tpu.memory_space<hbm>> -> memref<1x32x768xf32, #tpu.memory_space<hbm>>
    %dma_start3A_152 = tpu.memref_squeeze %dma_start3A_151 : memref<1x32x768xf32, #tpu.memory_space<hbm>> -> memref<32x768xf32, #tpu.memory_space<hbm>>
    %dma_start3A_153 = arith.constant 0 : i32
    %dma_start3A_154 = tpu.memref_slice %arg4[%select_n3A, %multiple_of3A_149, %dma_start3A_153] : memref<4x2048x768xf32, #tpu.memory_space<hbm>> -> memref<1x32x768xf32, #tpu.memory_space<hbm>>
    %dma_start3A_155 = tpu.memref_squeeze %dma_start3A_154 : memref<1x32x768xf32, #tpu.memory_space<hbm>> -> memref<32x768xf32, #tpu.memory_space<hbm>>
    tpu.enqueue_dma source(%arg9 : memref<32x768xf32, #tpu.memory_space<vmem>>) target(%dma_start3A_155 : memref<32x768xf32, #tpu.memory_space<hbm>>) target_semaphore(%arg19 : memref<!tpu.dma_semaphore, #tpu.memory_space<semaphore_mem>>)
    %dma_wait3A_156 = arith.constant 128 : i32
    %dma_wait3A_157 = tpu.memref_slice %arg5[%dma_wait3A_156] : memref<256xi32, #tpu.memory_space<vmem>> -> memref<32xi32, #tpu.memory_space<vmem>>
    %dma_wait3A_158 = arith.constant 0 : i32
    %dma_wait3A_159 = arith.constant 0 : i32
    %dma_wait3A_160 = tpu.memref_slice %arg2[%dma_wait3A_158, %dma_wait3A_159] : memref<100000x768xf32, #tpu.memory_space<hbm>> -> memref<100000x768xf32, #tpu.memory_space<hbm>>
    tpu.wait_indirect_dma semaphore(%arg15 : memref<!tpu.dma_semaphore, #tpu.memory_space<semaphore_mem>>) src(%dma_wait3A_160 : memref<100000x768xf32, #tpu.memory_space<hbm>>) dst(%arg10 : memref<32x768xf32, #tpu.memory_space<vmem>>)
    %dma_wait3A_161 = arith.constant 0 : i32
    %dma_wait3A_162 = tpu.memref_slice %arg4[%select_n3A, %multiple_of3A_118, %dma_wait3A_161] : memref<4x2048x768xf32, #tpu.memory_space<hbm>> -> memref<1x32x768xf32, #tpu.memory_space<hbm>>
    %dma_wait3A_163 = tpu.memref_squeeze %dma_wait3A_162 : memref<1x32x768xf32, #tpu.memory_space<hbm>> -> memref<32x768xf32, #tpu.memory_space<hbm>>
    %dma_wait3A_164 = arith.constant 0 : i32
    %dma_wait3A_165 = tpu.memref_slice %arg4[%select_n3A, %multiple_of3A_118, %dma_wait3A_164] : memref<4x2048x768xf32, #tpu.memory_space<hbm>> -> memref<1x32x768xf32, #tpu.memory_space<hbm>>
    %dma_wait3A_166 = tpu.memref_squeeze %dma_wait3A_165 : memref<1x32x768xf32, #tpu.memory_space<hbm>> -> memref<32x768xf32, #tpu.memory_space<hbm>>
    tpu.wait_dma2 semaphore(%arg18 : memref<!tpu.dma_semaphore, #tpu.memory_space<semaphore_mem>>) src(%arg8 : memref<32x768xf32, #tpu.memory_space<vmem>>) dst(%dma_wait3A_166 : memref<32x768xf32, #tpu.memory_space<hbm>>)
    %dma_start3A_167 = arith.constant 224 : i32
    %dma_start3A_168 = tpu.memref_slice %arg5[%dma_start3A_167] : memref<256xi32, #tpu.memory_space<vmem>> -> memref<32xi32, #tpu.memory_space<vmem>>
    %dma_start3A_169 = arith.constant 0 : i32
    %dma_start3A_170 = arith.constant 0 : i32
    %dma_start3A_171 = tpu.memref_slice %arg2[%dma_start3A_169, %dma_start3A_170] : memref<100000x768xf32, #tpu.memory_space<hbm>> -> memref<100000x768xf32, #tpu.memory_space<hbm>>
    tpu.enqueue_indirect_dma source(%dma_start3A_171 : memref<100000x768xf32, #tpu.memory_space<hbm>>) target(%arg8 : memref<32x768xf32, #tpu.memory_space<vmem>>) offsets(%dma_start3A_168 : memref<32xi32, #tpu.memory_space<vmem>>) semaphore(%arg13 : memref<!tpu.dma_semaphore, #tpu.memory_space<semaphore_mem>>)
    %scan3A_172 = arith.constant 0 : i32
    %scan3A_173 = arith.constant 0 : i32
    %scan3A_174 = arith.constant 32 : i32
    %scan3A_175 = arith.addi %scan3A_173, %scan3A_174 : i32
    %scan3A_176 = arith.constant 1 : i32
    scf.for %scan3A_277 = %scan3A_173 to %scan3A_175 step %scan3A_176  : i32 {
      %parallel_loop3A = arith.constant 0 : i32
      %parallel_loop3A_278 = arith.constant 48 : i32
      %parallel_loop3A_279 = arith.constant 1 : i32
      scf.for %parallel_loop3A_280 = %parallel_loop3A to %parallel_loop3A_278 step %parallel_loop3A_279  : i32 {
        %parallel_loop3A_281 = arith.constant 16 : i32
        %parallel_loop3A_282 = arith.muli %parallel_loop3A_280, %parallel_loop3A_281 : i32
        %parallel_loop3A_283 = arith.index_cast %scan3A_277 : i32 to index
        %parallel_loop3A_284 = arith.index_cast %parallel_loop3A_282 : i32 to index
        %parallel_loop3A_285 = tpu.vector_load %arg10[%parallel_loop3A_283, %parallel_loop3A_284] {strides = array<i32>} : memref<32x768xf32, #tpu.memory_space<vmem>>, vector<1x16xf32>,
        %parallel_loop3A_286 = vector.shape_cast %parallel_loop3A_285 : vector<1x16xf32> to vector<16xf32>
        %parallel_loop3A_287 = arith.constant 27.7128124 : f32
        %parallel_loop3A_288 = vector.broadcast %parallel_loop3A_287 : f32 to vector<16xf32>
        %parallel_loop3A_289 = arith.mulf %parallel_loop3A_286, %parallel_loop3A_288 : vector<16xf32>
        %parallel_loop3A_290 = arith.index_cast %scan3A_277 : i32 to index
        %parallel_loop3A_291 = arith.index_cast %parallel_loop3A_282 : i32 to index
        %parallel_loop3A_292 = tpu.vector_load %arg10[%parallel_loop3A_290, %parallel_loop3A_291] {strides = array<i32>} : memref<32x768xf32, #tpu.memory_space<vmem>>, vector<1x16xf32>,
        %parallel_loop3A_293 = vector.shape_cast %parallel_loop3A_292 : vector<1x16xf32> to vector<16xf32>
        %parallel_loop3A_294 = vector.shape_cast %parallel_loop3A_289 : vector<16xf32> to vector<1x16xf32>
        tpu.vector_store %arg10[%parallel_loop3A_290, %parallel_loop3A_291], %parallel_loop3A_294 {strides = array<i32>} : memref<32x768xf32, #tpu.memory_space<vmem>>, vector<1x16xf32>,
      } {sc.loop_unroll_factor = 16 : i64, sc.parallel_access}
    }
    %scan3A_177 = arith.constant 32 : i32
    %add3A_178 = arith.constant 128 : i32
    %add3A_179 = arith.addi %select_n3A_32, %add3A_178 : i32
    %multiple_of3A_180 = tpu.assume_multiple %add3A_179, 32 : i32
    %dma_start3A_181 = arith.constant 0 : i32
    %dma_start3A_182 = tpu.memref_slice %arg4[%select_n3A, %multiple_of3A_180, %dma_start3A_181] : memref<4x2048x768xf32, #tpu.memory_space<hbm>> -> memref<1x32x768xf32, #tpu.memory_space<hbm>>
    %dma_start3A_183 = tpu.memref_squeeze %dma_start3A_182 : memref<1x32x768xf32, #tpu.memory_space<hbm>> -> memref<32x768xf32, #tpu.memory_space<hbm>>
    %dma_start3A_184 = arith.constant 0 : i32
    %dma_start3A_185 = tpu.memref_slice %arg4[%select_n3A, %multiple_of3A_180, %dma_start3A_184] : memref<4x2048x768xf32, #tpu.memory_space<hbm>> -> memref<1x32x768xf32, #tpu.memory_space<hbm>>
    %dma_start3A_186 = tpu.memref_squeeze %dma_start3A_185 : memref<1x32x768xf32, #tpu.memory_space<hbm>> -> memref<32x768xf32, #tpu.memory_space<hbm>>
    tpu.enqueue_dma source(%arg10 : memref<32x768xf32, #tpu.memory_space<vmem>>) target(%dma_start3A_186 : memref<32x768xf32, #tpu.memory_space<hbm>>) target_semaphore(%arg20 : memref<!tpu.dma_semaphore, #tpu.memory_space<semaphore_mem>>)
    %dma_wait3A_187 = arith.constant 160 : i32
    %dma_wait3A_188 = tpu.memref_slice %arg5[%dma_wait3A_187] : memref<256xi32, #tpu.memory_space<vmem>> -> memref<32xi32, #tpu.memory_space<vmem>>
    %dma_wait3A_189 = arith.constant 0 : i32
    %dma_wait3A_190 = arith.constant 0 : i32
    %dma_wait3A_191 = tpu.memref_slice %arg2[%dma_wait3A_189, %dma_wait3A_190] : memref<100000x768xf32, #tpu.memory_space<hbm>> -> memref<100000x768xf32, #tpu.memory_space<hbm>>
    tpu.wait_indirect_dma semaphore(%arg11 : memref<!tpu.dma_semaphore, #tpu.memory_space<semaphore_mem>>) src(%dma_wait3A_191 : memref<100000x768xf32, #tpu.memory_space<hbm>>) dst(%arg6 : memref<32x768xf32, #tpu.memory_space<vmem>>)
    %scan3A_192 = arith.constant 0 : i32
    %scan3A_193 = arith.constant 0 : i32
    %scan3A_194 = arith.constant 32 : i32
    %scan3A_195 = arith.addi %scan3A_193, %scan3A_194 : i32
    %scan3A_196 = arith.constant 1 : i32
    scf.for %scan3A_277 = %scan3A_193 to %scan3A_195 step %scan3A_196  : i32 {
      %parallel_loop3A = arith.constant 0 : i32
      %parallel_loop3A_278 = arith.constant 48 : i32
      %parallel_loop3A_279 = arith.constant 1 : i32
      scf.for %parallel_loop3A_280 = %parallel_loop3A to %parallel_loop3A_278 step %parallel_loop3A_279  : i32 {
        %parallel_loop3A_281 = arith.constant 16 : i32
        %parallel_loop3A_282 = arith.muli %parallel_loop3A_280, %parallel_loop3A_281 : i32
        %parallel_loop3A_283 = arith.index_cast %scan3A_277 : i32 to index
        %parallel_loop3A_284 = arith.index_cast %parallel_loop3A_282 : i32 to index
        %parallel_loop3A_285 = tpu.vector_load %arg6[%parallel_loop3A_283, %parallel_loop3A_284] {strides = array<i32>} : memref<32x768xf32, #tpu.memory_space<vmem>>, vector<1x16xf32>,
        %parallel_loop3A_286 = vector.shape_cast %parallel_loop3A_285 : vector<1x16xf32> to vector<16xf32>
        %parallel_loop3A_287 = arith.constant 27.7128124 : f32
        %parallel_loop3A_288 = vector.broadcast %parallel_loop3A_287 : f32 to vector<16xf32>
        %parallel_loop3A_289 = arith.mulf %parallel_loop3A_286, %parallel_loop3A_288 : vector<16xf32>
        %parallel_loop3A_290 = arith.index_cast %scan3A_277 : i32 to index
        %parallel_loop3A_291 = arith.index_cast %parallel_loop3A_282 : i32 to index
        %parallel_loop3A_292 = tpu.vector_load %arg6[%parallel_loop3A_290, %parallel_loop3A_291] {strides = array<i32>} : memref<32x768xf32, #tpu.memory_space<vmem>>, vector<1x16xf32>,
        %parallel_loop3A_293 = vector.shape_cast %parallel_loop3A_292 : vector<1x16xf32> to vector<16xf32>
        %parallel_loop3A_294 = vector.shape_cast %parallel_loop3A_289 : vector<16xf32> to vector<1x16xf32>
        tpu.vector_store %arg6[%parallel_loop3A_290, %parallel_loop3A_291], %parallel_loop3A_294 {strides = array<i32>} : memref<32x768xf32, #tpu.memory_space<vmem>>, vector<1x16xf32>,
      } {sc.loop_unroll_factor = 16 : i64, sc.parallel_access}
    }
    %scan3A_197 = arith.constant 32 : i32
    %add3A_198 = arith.constant 160 : i32
    %add3A_199 = arith.addi %select_n3A_32, %add3A_198 : i32
    %multiple_of3A_200 = tpu.assume_multiple %add3A_199, 32 : i32
    %dma_start3A_201 = arith.constant 0 : i32
    %dma_start3A_202 = tpu.memref_slice %arg4[%select_n3A, %multiple_of3A_200, %dma_start3A_201] : memref<4x2048x768xf32, #tpu.memory_space<hbm>> -> memref<1x32x768xf32, #tpu.memory_space<hbm>>
    %dma_start3A_203 = tpu.memref_squeeze %dma_start3A_202 : memref<1x32x768xf32, #tpu.memory_space<hbm>> -> memref<32x768xf32, #tpu.memory_space<hbm>>
    %dma_start3A_204 = arith.constant 0 : i32
    %dma_start3A_205 = tpu.memref_slice %arg4[%select_n3A, %multiple_of3A_200, %dma_start3A_204] : memref<4x2048x768xf32, #tpu.memory_space<hbm>> -> memref<1x32x768xf32, #tpu.memory_space<hbm>>
    %dma_start3A_206 = tpu.memref_squeeze %dma_start3A_205 : memref<1x32x768xf32, #tpu.memory_space<hbm>> -> memref<32x768xf32, #tpu.memory_space<hbm>>
    tpu.enqueue_dma source(%arg6 : memref<32x768xf32, #tpu.memory_space<vmem>>) target(%dma_start3A_206 : memref<32x768xf32, #tpu.memory_space<hbm>>) target_semaphore(%arg16 : memref<!tpu.dma_semaphore, #tpu.memory_space<semaphore_mem>>)
    %dma_wait3A_207 = arith.constant 192 : i32
    %dma_wait3A_208 = tpu.memref_slice %arg5[%dma_wait3A_207] : memref<256xi32, #tpu.memory_space<vmem>> -> memref<32xi32, #tpu.memory_space<vmem>>
    %dma_wait3A_209 = arith.constant 0 : i32
    %dma_wait3A_210 = arith.constant 0 : i32
    %dma_wait3A_211 = tpu.memref_slice %arg2[%dma_wait3A_209, %dma_wait3A_210] : memref<100000x768xf32, #tpu.memory_space<hbm>> -> memref<100000x768xf32, #tpu.memory_space<hbm>>
    tpu.wait_indirect_dma semaphore(%arg12 : memref<!tpu.dma_semaphore, #tpu.memory_space<semaphore_mem>>) src(%dma_wait3A_211 : memref<100000x768xf32, #tpu.memory_space<hbm>>) dst(%arg7 : memref<32x768xf32, #tpu.memory_space<vmem>>)
    %scan3A_212 = arith.constant 0 : i32
    %scan3A_213 = arith.constant 0 : i32
    %scan3A_214 = arith.constant 32 : i32
    %scan3A_215 = arith.addi %scan3A_213, %scan3A_214 : i32
    %scan3A_216 = arith.constant 1 : i32
    scf.for %scan3A_277 = %scan3A_213 to %scan3A_215 step %scan3A_216  : i32 {
      %parallel_loop3A = arith.constant 0 : i32
      %parallel_loop3A_278 = arith.constant 48 : i32
      %parallel_loop3A_279 = arith.constant 1 : i32
      scf.for %parallel_loop3A_280 = %parallel_loop3A to %parallel_loop3A_278 step %parallel_loop3A_279  : i32 {
        %parallel_loop3A_281 = arith.constant 16 : i32
        %parallel_loop3A_282 = arith.muli %parallel_loop3A_280, %parallel_loop3A_281 : i32
        %parallel_loop3A_283 = arith.index_cast %scan3A_277 : i32 to index
        %parallel_loop3A_284 = arith.index_cast %parallel_loop3A_282 : i32 to index
        %parallel_loop3A_285 = tpu.vector_load %arg7[%parallel_loop3A_283, %parallel_loop3A_284] {strides = array<i32>} : memref<32x768xf32, #tpu.memory_space<vmem>>, vector<1x16xf32>,
        %parallel_loop3A_286 = vector.shape_cast %parallel_loop3A_285 : vector<1x16xf32> to vector<16xf32>
        %parallel_loop3A_287 = arith.constant 27.7128124 : f32
        %parallel_loop3A_288 = vector.broadcast %parallel_loop3A_287 : f32 to vector<16xf32>
        %parallel_loop3A_289 = arith.mulf %parallel_loop3A_286, %parallel_loop3A_288 : vector<16xf32>
        %parallel_loop3A_290 = arith.index_cast %scan3A_277 : i32 to index
        %parallel_loop3A_291 = arith.index_cast %parallel_loop3A_282 : i32 to index
        %parallel_loop3A_292 = tpu.vector_load %arg7[%parallel_loop3A_290, %parallel_loop3A_291] {strides = array<i32>} : memref<32x768xf32, #tpu.memory_space<vmem>>, vector<1x16xf32>,
        %parallel_loop3A_293 = vector.shape_cast %parallel_loop3A_292 : vector<1x16xf32> to vector<16xf32>
        %parallel_loop3A_294 = vector.shape_cast %parallel_loop3A_289 : vector<16xf32> to vector<1x16xf32>
        tpu.vector_store %arg7[%parallel_loop3A_290, %parallel_loop3A_291], %parallel_loop3A_294 {strides = array<i32>} : memref<32x768xf32, #tpu.memory_space<vmem>>, vector<1x16xf32>,
      } {sc.loop_unroll_factor = 16 : i64, sc.parallel_access}
    }
    %scan3A_217 = arith.constant 32 : i32
    %add3A_218 = arith.constant 192 : i32
    %add3A_219 = arith.addi %select_n3A_32, %add3A_218 : i32
    %multiple_of3A_220 = tpu.assume_multiple %add3A_219, 32 : i32
    %dma_start3A_221 = arith.constant 0 : i32
    %dma_start3A_222 = tpu.memref_slice %arg4[%select_n3A, %multiple_of3A_220, %dma_start3A_221] : memref<4x2048x768xf32, #tpu.memory_space<hbm>> -> memref<1x32x768xf32, #tpu.memory_space<hbm>>
    %dma_start3A_223 = tpu.memref_squeeze %dma_start3A_222 : memref<1x32x768xf32, #tpu.memory_space<hbm>> -> memref<32x768xf32, #tpu.memory_space<hbm>>
    %dma_start3A_224 = arith.constant 0 : i32
    %dma_start3A_225 = tpu.memref_slice %arg4[%select_n3A, %multiple_of3A_220, %dma_start3A_224] : memref<4x2048x768xf32, #tpu.memory_space<hbm>> -> memref<1x32x768xf32, #tpu.memory_space<hbm>>
    %dma_start3A_226 = tpu.memref_squeeze %dma_start3A_225 : memref<1x32x768xf32, #tpu.memory_space<hbm>> -> memref<32x768xf32, #tpu.memory_space<hbm>>
    tpu.enqueue_dma source(%arg7 : memref<32x768xf32, #tpu.memory_space<vmem>>) target(%dma_start3A_226 : memref<32x768xf32, #tpu.memory_space<hbm>>) target_semaphore(%arg17 : memref<!tpu.dma_semaphore, #tpu.memory_space<semaphore_mem>>)
    %dma_wait3A_227 = arith.constant 224 : i32
    %dma_wait3A_228 = tpu.memref_slice %arg5[%dma_wait3A_227] : memref<256xi32, #tpu.memory_space<vmem>> -> memref<32xi32, #tpu.memory_space<vmem>>
    %dma_wait3A_229 = arith.constant 0 : i32
    %dma_wait3A_230 = arith.constant 0 : i32
    %dma_wait3A_231 = tpu.memref_slice %arg2[%dma_wait3A_229, %dma_wait3A_230] : memref<100000x768xf32, #tpu.memory_space<hbm>> -> memref<100000x768xf32, #tpu.memory_space<hbm>>
    tpu.wait_indirect_dma semaphore(%arg13 : memref<!tpu.dma_semaphore, #tpu.memory_space<semaphore_mem>>) src(%dma_wait3A_231 : memref<100000x768xf32, #tpu.memory_space<hbm>>) dst(%arg8 : memref<32x768xf32, #tpu.memory_space<vmem>>)
    %scan3A_232 = arith.constant 0 : i32
    %scan3A_233 = arith.constant 0 : i32
    %scan3A_234 = arith.constant 32 : i32
    %scan3A_235 = arith.addi %scan3A_233, %scan3A_234 : i32
    %scan3A_236 = arith.constant 1 : i32
    scf.for %scan3A_277 = %scan3A_233 to %scan3A_235 step %scan3A_236  : i32 {
      %parallel_loop3A = arith.constant 0 : i32
      %parallel_loop3A_278 = arith.constant 48 : i32
      %parallel_loop3A_279 = arith.constant 1 : i32
      scf.for %parallel_loop3A_280 = %parallel_loop3A to %parallel_loop3A_278 step %parallel_loop3A_279  : i32 {
        %parallel_loop3A_281 = arith.constant 16 : i32
        %parallel_loop3A_282 = arith.muli %parallel_loop3A_280, %parallel_loop3A_281 : i32
        %parallel_loop3A_283 = arith.index_cast %scan3A_277 : i32 to index
        %parallel_loop3A_284 = arith.index_cast %parallel_loop3A_282 : i32 to index
        %parallel_loop3A_285 = tpu.vector_load %arg8[%parallel_loop3A_283, %parallel_loop3A_284] {strides = array<i32>} : memref<32x768xf32, #tpu.memory_space<vmem>>, vector<1x16xf32>,
        %parallel_loop3A_286 = vector.shape_cast %parallel_loop3A_285 : vector<1x16xf32> to vector<16xf32>
        %parallel_loop3A_287 = arith.constant 27.7128124 : f32
        %parallel_loop3A_288 = vector.broadcast %parallel_loop3A_287 : f32 to vector<16xf32>
        %parallel_loop3A_289 = arith.mulf %parallel_loop3A_286, %parallel_loop3A_288 : vector<16xf32>
        %parallel_loop3A_290 = arith.index_cast %scan3A_277 : i32 to index
        %parallel_loop3A_291 = arith.index_cast %parallel_loop3A_282 : i32 to index
        %parallel_loop3A_292 = tpu.vector_load %arg8[%parallel_loop3A_290, %parallel_loop3A_291] {strides = array<i32>} : memref<32x768xf32, #tpu.memory_space<vmem>>, vector<1x16xf32>,
        %parallel_loop3A_293 = vector.shape_cast %parallel_loop3A_292 : vector<1x16xf32> to vector<16xf32>
        %parallel_loop3A_294 = vector.shape_cast %parallel_loop3A_289 : vector<16xf32> to vector<1x16xf32>
        tpu.vector_store %arg8[%parallel_loop3A_290, %parallel_loop3A_291], %parallel_loop3A_294 {strides = array<i32>} : memref<32x768xf32, #tpu.memory_space<vmem>>, vector<1x16xf32>,
      } {sc.loop_unroll_factor = 16 : i64, sc.parallel_access}
    }
    %scan3A_237 = arith.constant 32 : i32
    %add3A_238 = arith.constant 224 : i32
    %add3A_239 = arith.addi %select_n3A_32, %add3A_238 : i32
    %multiple_of3A_240 = tpu.assume_multiple %add3A_239, 32 : i32
    %dma_start3A_241 = arith.constant 0 : i32
    %dma_start3A_242 = tpu.memref_slice %arg4[%select_n3A, %multiple_of3A_240, %dma_start3A_241] : memref<4x2048x768xf32, #tpu.memory_space<hbm>> -> memref<1x32x768xf32, #tpu.memory_space<hbm>>
    %dma_start3A_243 = tpu.memref_squeeze %dma_start3A_242 : memref<1x32x768xf32, #tpu.memory_space<hbm>> -> memref<32x768xf32, #tpu.memory_space<hbm>>
    %dma_start3A_244 = arith.constant 0 : i32
    %dma_start3A_245 = tpu.memref_slice %arg4[%select_n3A, %multiple_of3A_240, %dma_start3A_244] : memref<4x2048x768xf32, #tpu.memory_space<hbm>> -> memref<1x32x768xf32, #tpu.memory_space<hbm>>
    %dma_start3A_246 = tpu.memref_squeeze %dma_start3A_245 : memref<1x32x768xf32, #tpu.memory_space<hbm>> -> memref<32x768xf32, #tpu.memory_space<hbm>>
    tpu.enqueue_dma source(%arg8 : memref<32x768xf32, #tpu.memory_space<vmem>>) target(%dma_start3A_246 : memref<32x768xf32, #tpu.memory_space<hbm>>) target_semaphore(%arg18 : memref<!tpu.dma_semaphore, #tpu.memory_space<semaphore_mem>>)
    %dma_wait3A_247 = arith.constant 0 : i32
    %dma_wait3A_248 = tpu.memref_slice %arg4[%select_n3A, %multiple_of3A_149, %dma_wait3A_247] : memref<4x2048x768xf32, #tpu.memory_space<hbm>> -> memref<1x32x768xf32, #tpu.memory_space<hbm>>
    %dma_wait3A_249 = tpu.memref_squeeze %dma_wait3A_248 : memref<1x32x768xf32, #tpu.memory_space<hbm>> -> memref<32x768xf32, #tpu.memory_space<hbm>>
    %dma_wait3A_250 = arith.constant 0 : i32
    %dma_wait3A_251 = tpu.memref_slice %arg4[%select_n3A, %multiple_of3A_149, %dma_wait3A_250] : memref<4x2048x768xf32, #tpu.memory_space<hbm>> -> memref<1x32x768xf32, #tpu.memory_space<hbm>>
    %dma_wait3A_252 = tpu.memref_squeeze %dma_wait3A_251 : memref<1x32x768xf32, #tpu.memory_space<hbm>> -> memref<32x768xf32, #tpu.memory_space<hbm>>
    tpu.wait_dma2 semaphore(%arg19 : memref<!tpu.dma_semaphore, #tpu.memory_space<semaphore_mem>>) src(%arg9 : memref<32x768xf32, #tpu.memory_space<vmem>>) dst(%dma_wait3A_252 : memref<32x768xf32, #tpu.memory_space<hbm>>)
    %dma_wait3A_253 = arith.constant 0 : i32
    %dma_wait3A_254 = tpu.memref_slice %arg4[%select_n3A, %multiple_of3A_180, %dma_wait3A_253] : memref<4x2048x768xf32, #tpu.memory_space<hbm>> -> memref<1x32x768xf32, #tpu.memory_space<hbm>>
    %dma_wait3A_255 = tpu.memref_squeeze %dma_wait3A_254 : memref<1x32x768xf32, #tpu.memory_space<hbm>> -> memref<32x768xf32, #tpu.memory_space<hbm>>
    %dma_wait3A_256 = arith.constant 0 : i32
    %dma_wait3A_257 = tpu.memref_slice %arg4[%select_n3A, %multiple_of3A_180, %dma_wait3A_256] : memref<4x2048x768xf32, #tpu.memory_space<hbm>> -> memref<1x32x768xf32, #tpu.memory_space<hbm>>
    %dma_wait3A_258 = tpu.memref_squeeze %dma_wait3A_257 : memref<1x32x768xf32, #tpu.memory_space<hbm>> -> memref<32x768xf32, #tpu.memory_space<hbm>>
    tpu.wait_dma2 semaphore(%arg20 : memref<!tpu.dma_semaphore, #tpu.memory_space<semaphore_mem>>) src(%arg10 : memref<32x768xf32, #tpu.memory_space<vmem>>) dst(%dma_wait3A_258 : memref<32x768xf32, #tpu.memory_space<hbm>>)
    %dma_wait3A_259 = arith.constant 0 : i32
    %dma_wait3A_260 = tpu.memref_slice %arg4[%select_n3A, %multiple_of3A_200, %dma_wait3A_259] : memref<4x2048x768xf32, #tpu.memory_space<hbm>> -> memref<1x32x768xf32, #tpu.memory_space<hbm>>
    %dma_wait3A_261 = tpu.memref_squeeze %dma_wait3A_260 : memref<1x32x768xf32, #tpu.memory_space<hbm>> -> memref<32x768xf32, #tpu.memory_space<hbm>>
    %dma_wait3A_262 = arith.constant 0 : i32
    %dma_wait3A_263 = tpu.memref_slice %arg4[%select_n3A, %multiple_of3A_200, %dma_wait3A_262] : memref<4x2048x768xf32, #tpu.memory_space<hbm>> -> memref<1x32x768xf32, #tpu.memory_space<hbm>>
    %dma_wait3A_264 = tpu.memref_squeeze %dma_wait3A_263 : memref<1x32x768xf32, #tpu.memory_space<hbm>> -> memref<32x768xf32, #tpu.memory_space<hbm>>
    tpu.wait_dma2 semaphore(%arg16 : memref<!tpu.dma_semaphore, #tpu.memory_space<semaphore_mem>>) src(%arg6 : memref<32x768xf32, #tpu.memory_space<vmem>>) dst(%dma_wait3A_264 : memref<32x768xf32, #tpu.memory_space<hbm>>)
    %dma_wait3A_265 = arith.constant 0 : i32
    %dma_wait3A_266 = tpu.memref_slice %arg4[%select_n3A, %multiple_of3A_220, %dma_wait3A_265] : memref<4x2048x768xf32, #tpu.memory_space<hbm>> -> memref<1x32x768xf32, #tpu.memory_space<hbm>>
    %dma_wait3A_267 = tpu.memref_squeeze %dma_wait3A_266 : memref<1x32x768xf32, #tpu.memory_space<hbm>> -> memref<32x768xf32, #tpu.memory_space<hbm>>
    %dma_wait3A_268 = arith.constant 0 : i32
    %dma_wait3A_269 = tpu.memref_slice %arg4[%select_n3A, %multiple_of3A_220, %dma_wait3A_268] : memref<4x2048x768xf32, #tpu.memory_space<hbm>> -> memref<1x32x768xf32, #tpu.memory_space<hbm>>
    %dma_wait3A_270 = tpu.memref_squeeze %dma_wait3A_269 : memref<1x32x768xf32, #tpu.memory_space<hbm>> -> memref<32x768xf32, #tpu.memory_space<hbm>>
    tpu.wait_dma2 semaphore(%arg17 : memref<!tpu.dma_semaphore, #tpu.memory_space<semaphore_mem>>) src(%arg7 : memref<32x768xf32, #tpu.memory_space<vmem>>) dst(%dma_wait3A_270 : memref<32x768xf32, #tpu.memory_space<hbm>>)
    %dma_wait3A_271 = arith.constant 0 : i32
    %dma_wait3A_272 = tpu.memref_slice %arg4[%select_n3A, %multiple_of3A_240, %dma_wait3A_271] : memref<4x2048x768xf32, #tpu.memory_space<hbm>> -> memref<1x32x768xf32, #tpu.memory_space<hbm>>
    %dma_wait3A_273 = tpu.memref_squeeze %dma_wait3A_272 : memref<1x32x768xf32, #tpu.memory_space<hbm>> -> memref<32x768xf32, #tpu.memory_space<hbm>>
    %dma_wait3A_274 = arith.constant 0 : i32
    %dma_wait3A_275 = tpu.memref_slice %arg4[%select_n3A, %multiple_of3A_240, %dma_wait3A_274] : memref<4x2048x768xf32, #tpu.memory_space<hbm>> -> memref<1x32x768xf32, #tpu.memory_space<hbm>>
    %dma_wait3A_276 = tpu.memref_squeeze %dma_wait3A_275 : memref<1x32x768xf32, #tpu.memory_space<hbm>> -> memref<32x768xf32, #tpu.memory_space<hbm>>
    tpu.wait_dma2 semaphore(%arg18 : memref<!tpu.dma_semaphore, #tpu.memory_space<semaphore_mem>>) src(%arg8 : memref<32x768xf32, #tpu.memory_space<vmem>>) dst(%dma_wait3A_276 : memref<32x768xf32, #tpu.memory_space<hbm>>)
    return
  }
}

module attributes {stable_mosaic.version = 14 : i64} {
  func.func @_maskfreq_body(%arg0: i32, %arg1: memref<4x2048xi32, #tpu.memory_space<vmem>>, %arg2: memref<1x1x256x2048xf32, #tpu.memory_space<vmem>>, %arg3: memref<256x32xf32, #tpu.memory_space<vmem>>, %arg4: memref<256x32xf32, #tpu.memory_space<vmem>>, %arg5: memref<4x2048xi32, #tpu.memory_space<vmem>>) attributes {dimension_semantics = [#tpu.dimension_semantics<arbitrary>], iteration_bounds = array<i64: 8>, scalar_prefetch = 0 : i64, scratch_operands = 0 : i64, tpu.core_type = #tpu.core_type<tc>, window_params = [{pipeline_mode = #tpu.pipeline_mode<synchronous>, transform_indices = @transform_0, window_bounds = array<i64: 4, 2048>}, {transform_indices = @transform_1, window_bounds = array<i64: 1, 1, 256, 2048>}, {transform_indices = @transform_2, window_bounds = array<i64: 256, 32>}, {transform_indices = @transform_3, window_bounds = array<i64: 256, 32>}, {pipeline_mode = #tpu.pipeline_mode<synchronous>, transform_indices = @transform_4, window_bounds = array<i64: 4, 2048>}]} {
    %get3A = arith.constant 0 : index
    %get3A_0 = arith.constant 0 : index
    %get3A_1 = vector.load %arg1[%get3A, %get3A_0] : memref<4x2048xi32, #tpu.memory_space<vmem>>, vector<4x2048xi32>
    %swap3A = arith.constant 0 : index
    %swap3A_2 = arith.constant 0 : index
    %swap3A_3 = vector.load %arg5[%swap3A, %swap3A_2] : memref<4x2048xi32, #tpu.memory_space<vmem>>, vector<4x2048xi32>
    tpu.vector_store %arg5[%swap3A, %swap3A_2], %get3A_1 {strides = array<i32>} : memref<4x2048xi32, #tpu.memory_space<vmem>>, vector<4x2048xi32>,
    %mul3A = arith.constant 256 : i32
    %mul3A_4 = arith.muli %arg0, %mul3A : i32
    %iota3A = tpu.iota {dimensions = array<i32: 0>} : vector<256x2048xi32>
    %add3A = vector.broadcast %mul3A_4 : i32 to vector<256x2048xi32>
    %add3A_5 = arith.addi %iota3A, %add3A : vector<256x2048xi32>
    %iota3A_6 = tpu.iota {dimensions = array<i32: 1>} : vector<256x2048xi32>
    %gt3A = arith.cmpi sgt, %iota3A_6, %add3A_5 : vector<256x2048xi32>
    %jit3A = arith.constant -2.38197633E+38 : f32
    %jit3A_7 = arith.constant 0.000000e+00 : f32
    %broadcast_in_dim3A = vector.broadcast %jit3A : f32 to vector<256x2048xf32>
    %broadcast_in_dim3A_8 = vector.broadcast %jit3A_7 : f32 to vector<256x2048xf32>
    %select_n3A = arith.select %gt3A, %broadcast_in_dim3A, %broadcast_in_dim3A_8 : vector<256x2048xi1>, vector<256x2048xf32>
    %swap3A_9 = arith.constant 0 : index
    %swap3A_10 = arith.constant 0 : index
    %swap3A_11 = arith.constant 0 : index
    %swap3A_12 = arith.constant 0 : index
    %swap3A_13 = vector.load %arg2[%swap3A_9, %swap3A_10, %swap3A_11, %swap3A_12] : memref<1x1x256x2048xf32, #tpu.memory_space<vmem>>, vector<1x1x256x2048xf32>
    %swap3A_14 = vector.shape_cast %swap3A_13 : vector<1x1x256x2048xf32> to vector<256x2048xf32>
    %swap3A_15 = vector.shape_cast %select_n3A : vector<256x2048xf32> to vector<1x1x256x2048xf32>
    tpu.vector_store %arg2[%swap3A_9, %swap3A_10, %swap3A_11, %swap3A_12], %swap3A_15 {strides = array<i32>} : memref<1x1x256x2048xf32, #tpu.memory_space<vmem>>, vector<1x1x256x2048xf32>,
    %iota3A_16 = tpu.iota {dimensions = array<i32: 0>} : vector<256x32xi32>
    %add3A_17 = vector.broadcast %mul3A_4 : i32 to vector<256x32xi32>
    %add3A_18 = arith.addi %iota3A_16, %add3A_17 : vector<256x32xi32>
    %convert_element_type3A = arith.sitofp %add3A_18 : vector<256x32xi32> to vector<256x32xf32>
    %iota3A_19 = tpu.iota {dimensions = array<i32: 1>} : vector<256x32xi32>
    %convert_element_type3A_20 = arith.sitofp %iota3A_19 : vector<256x32xi32> to vector<256x32xf32>
    %mul3A_21 = arith.constant 3.125000e-02 : f32
    %mul3A_22 = vector.broadcast %mul3A_21 : f32 to vector<256x32xf32>
    %mul3A_23 = arith.mulf %convert_element_type3A_20, %mul3A_22 : vector<256x32xf32>
    %neg3A = arith.constant 0.000000e+00 : f32
    %neg3A_24 = arith.constant 9.21034049 : f32
    %neg3A_25 = arith.subf %neg3A, %neg3A_24 : f32
    %mul3A_26 = vector.broadcast %neg3A_25 : f32 to vector<256x32xf32>
    %mul3A_27 = arith.mulf %mul3A_23, %mul3A_26 : vector<256x32xf32>
    %exp3A = math.exp %mul3A_27 : vector<256x32xf32>
    %mul3A_28 = arith.mulf %convert_element_type3A, %exp3A : vector<256x32xf32>
    %cos3A = math.cos %mul3A_28 : vector<256x32xf32>
    %swap3A_29 = arith.constant 0 : index
    %swap3A_30 = arith.constant 0 : index
    %swap3A_31 = vector.load %arg3[%swap3A_29, %swap3A_30] : memref<256x32xf32, #tpu.memory_space<vmem>>, vector<256x32xf32>
    tpu.vector_store %arg3[%swap3A_29, %swap3A_30], %cos3A {strides = array<i32>} : memref<256x32xf32, #tpu.memory_space<vmem>>, vector<256x32xf32>,
    %sin3A = math.sin %mul3A_28 : vector<256x32xf32>
    %swap3A_32 = arith.constant 0 : index
    %swap3A_33 = arith.constant 0 : index
    %swap3A_34 = vector.load %arg4[%swap3A_32, %swap3A_33] : memref<256x32xf32, #tpu.memory_space<vmem>>, vector<256x32xf32>
    tpu.vector_store %arg4[%swap3A_32, %swap3A_33], %sin3A {strides = array<i32>} : memref<256x32xf32, #tpu.memory_space<vmem>>, vector<256x32xf32>,
    return
  }
  func.func @transform_0(%arg0: i32) -> (i32, i32) {
    %c0_i32 = arith.constant 0 : i32
    %c0_i32_0 = arith.constant 0 : i32
    %c0_i32_1 = arith.constant 0 : i32
    return %c0_i32, %c0_i32_0 : i32, i32
  }
  func.func @transform_1(%arg0: i32) -> (i32, i32, i32, i32) {
    %c0_i32 = arith.constant 0 : i32
    %c0_i32_0 = arith.constant 0 : i32
    %c0_i32_1 = arith.constant 0 : i32
    %c0_i32_2 = arith.constant 0 : i32
    return %c0_i32, %c0_i32_0, %arg0, %c0_i32_1 : i32, i32, i32, i32
  }
  func.func @transform_2(%arg0: i32) -> (i32, i32) {
    %c0_i32 = arith.constant 0 : i32
    %c0_i32_0 = arith.constant 0 : i32
    return %arg0, %c0_i32 : i32, i32
  }
  func.func @transform_3(%arg0: i32) -> (i32, i32) {
    %c0_i32 = arith.constant 0 : i32
    %c0_i32_0 = arith.constant 0 : i32
    return %arg0, %c0_i32 : i32, i32
  }
  func.func @transform_4(%arg0: i32) -> (i32, i32) {
    %c0_i32 = arith.constant 0 : i32
    %c0_i32_0 = arith.constant 0 : i32
    %c0_i32_1 = arith.constant 0 : i32
    return %c0_i32, %c0_i32_0 : i32, i32
  }
}

</mosaic_0001>

<sc_bundles>
// kernel: kernel.4.cloned.1.call-start
scs
__scs_entry_jumppad:
0x0: {  	(pc) =	sbr.rel $0x88, $3  }
0x1: {  	(tag) =	ssettag $0x0;
	lr =	simm.s32 $0x1  }
0x2: {  	[smem:$0x3F9E] =	sst lr;
	_ =	strace $0xD0000000  }
0x3: {  	_ = 	snop  }
0x4: {  	_ = 	snop  }
0x5: {  	_ = 	snop  }
0x6: {  	_ = 	snop  }
0x7: {  	_ = 	snop  }
__scs_overlays_trampoline_lowered:
0x8: {  	[smem:$0x3FAD] =	sst s0  }
0x9: {  	[smem:$0x3FAE] =	sst s1  }
0xa: {  	[smem:$0x3FAF] =	sst s2  }
0xb: {  	[smem:$0x3FB0] =	sst s3  }
0xc: {  	[smem:$0x3FB1] =	sst s4  }
0xd: {  	[smem:$0x3FB2] =	sst s5  }
0xe: {  	[smem:$0x3FB3] =	sst s6  }
0xf: {  	[smem:$0x3FB4] =	sst s7  }
0x10: {  	[smem:$0x3FB5] =	sst s8  }
0x11: {  	[smem:$0x3FB6] =	sst s9;
	s0 =	simm.s32 @!p0 $0x0  }
0x12: {  	s1 =	sld [smem:$0x3F9C];
	s0 =	simm.s32 @p0 $0x1  }
0x13: {  	[smem:$0x3FB7] =	sst s0;
	s0 =	simm.s32 @!p1 $0x0  }
0x14: {  	s2 =	sld [smem:$0x3F9B];
	s0 =	simm.s32 @p1 $0x1  }
0x15: {  	[smem:$0x3FB8] =	sst s0;
	s0 =	simm.s32 @!p2 $0x0  }
0x16: {  	s3 =	sld [smem:$0x3FDB];
	s0 =	simm.s32 @p2 $0x1  }
0x17: {  	s4 =	simm.s32 $0x1BF5;
	[smem:$0x3FBA] =	sst s0  }
0x18: {  	s0 =	sld [smem:$0x3F9D];
	_ =	swait.ge [sflag:s4], $0x0  }
0x19: {  	s7 =	sld [smem:$0x3F9E]  }
0x1a: {  	s8 =	sadd.s32 $0xFFFFE003, lr  }
0x1b: {  	s9 =	sadd.s32 $0xFFFFFEF7, lr;
	s5 =	simm.s32 $0xFFFFFFFF;
	p2 =	slt.u32 s8, $0xFFFFF086  }
0x1c: {  	p1 =	slt.u32 s9, $0xF7A;
	s5 =	simm.s32 @!p2 $0x0  }
0x1d: {  	s5 =	simm.s32 @p1 $0x1;
	p0 =	seq.s32 s7, s2  }
0x1e: {  	s7 =	smul.u32 @!p0 $0xF7A, s2;
	p2 =	seq.s32 @!p0 s5, $0x0  }
0x1f: {  	s9 =	smul.u32 $0xF7A, s1;
	s8 =	simm.s32 @!p0 $0x1BF5;
	p2 =	por !p2, p0  }
0x20: {  	[sflag:s8] =	ssyncset.s32 @!p0 $0xFFFFF086;
	s6 =	sadd.s32 @!p0 s3, s7;
	s7 =	simm.s32 @!p0 $0x108  }
0x21: {  	s3 =	sadd.s32 s3, s9;
	s6 =	sadd.s32 @!p0 $0x88, s6;
	s7 =	simm.s32 @p2 $0x1082  }
0x22: {  	[simem:s7], [sflag:s8] =	dma.local @!p0 [hbm:s6], $0xF7A  }
0x23: {  	s9 =	sor.u32 $0xD0000000, s2;
	s6 =	simm.s32 $0x108;
	_ =	swait.ge @!p0 [sflag:s8], $0x0  }
0x24: {  	s3 =	sadd.s32 $0x88, s3;
	s6 =	simm.s32 @!p1 $0x1082;
	[sflag:s4] =	ssyncset.s32 $0xFFFFF086  }
0x25: {  	[simem:s6], [sflag:s4] =	dma.local [hbm:s3], $0xF7A  }
0x26: {  	[smem:$0x3F9E] =	sst s1;
	(tag) =	ssettag s2;
	_ =	strace s9  }
0x27: {  	s1 =	sld [smem:$0x3FAE]  }
0x28: {  	s2 =	sld [smem:$0x3FAF]  }
0x29: {  	s4 =	sld [smem:$0x3FB1]  }
0x2a: {  	p0 =	seq.s32 s5, $0x0;
	s5 =	sld [smem:$0x3FB2]  }
0x2b: {  	s6 =	sld [smem:$0x3FB3]  }
0x2c: {  	s7 =	sld [smem:$0x3FB4]  }
0x2d: {  	s3 =	simm.s32 $0x108;
	s8 =	sld [smem:$0x3FB5]  }
0x2e: {  	s3 =	simm.s32 @!p0 $0x1082;
	s9 =	sld [smem:$0x3FB6]  }
0x2f: {  	lr =	sadd.s32 s0, s3;
	s0 =	sld [smem:$0x3FAD]  }
0x30: {  	s3 =	sld [smem:$0x3FB0]  }
0x31: {  	[smem:$0x3FB9] =	sst s10  }
0x32: {  	s10 =	sld [smem:$0x3FB7];
	_ =	sdelay $0x3  }
0x33: {  	p0 =	seq.s32 s10, $0x1;
	s10 =	sld [smem:$0x3FB9];
	_ =	sdelay $0x3  }
0x34: {  	[smem:$0x3FB9] =	sst s10  }
0x35: {  	s10 =	sld [smem:$0x3FB8];
	_ =	sdelay $0x3  }
0x36: {  	p1 =	seq.s32 s10, $0x1;
	s10 =	sld [smem:$0x3FB9];
	_ =	sdelay $0x3  }
0x37: {  	[smem:$0x3FB9] =	sst s10  }
0x38: {  	s10 =	sld [smem:$0x3FBA]  }
0x39: {  	_ = 	snop;
	(pc) =	sbr.ind lr, $3  }
0x3a: {  	_ = 	snop  }
0x3b: {  	_ = 	snop  }
0x3c: {  	p2 =	seq.s32 s10, $0x1;
	s10 =	sld [smem:$0x3FB9]  }
0x3d: {  	_ =	shalt  }
0x3e: {  	_ =	shalt  }
0x3f: {  	_ =	shalt  }
0x40: {  	_ =	shalt  }
0x41: {  	_ =	shalt  }
0x42: {  	_ =	shalt  }
0x43: {  	_ =	shalt  }
0x44: {  	_ =	shalt  }
0x45: {  	_ =	shalt  }
0x46: {  	_ =	shalt  }
0x47: {  	_ =	shalt  }
0x48: {  	_ =	shalt  }
0x49: {  	_ =	shalt  }
0x4a: {  	_ =	shalt  }
0x4b: {  	_ =	shalt  }
0x4c: {  	_ =	shalt  }
0x4d: {  	_ =	shalt  }
0x4e: {  	_ =	shalt  }
0x4f: {  	_ =	shalt  }
0x50: {  	_ =	shalt  }
0x51: {  	_ =	shalt  }
0x52: {  	_ =	shalt  }
0x53: {  	_ =	shalt  }
0x54: {  	_ =	shalt  }
0x55: {  	_ =	shalt  }
0x56: {  	_ =	shalt  }
0x57: {  	_ =	shalt  }
0x58: {  	_ =	shalt  }
0x59: {  	_ =	shalt  }
0x5a: {  	_ =	shalt  }
0x5b: {  	_ =	shalt  }
0x5c: {  	_ =	shalt  }
0x5d: {  	_ =	shalt  }
0x5e: {  	_ =	shalt  }
0x5f: {  	_ =	shalt  }
0x60: {  	_ =	shalt  }
0x61: {  	_ =	shalt  }
0x62: {  	_ =	shalt  }
0x63: {  	_ =	shalt  }
0x64: {  	_ =	shalt  }
0x65: {  	_ =	shalt  }
0x66: {  	_ =	shalt  }
0x67: {  	_ =	shalt  }
0x68: {  	_ =	shalt  }
0x69: {  	_ =	shalt  }
0x6a: {  	_ =	shalt  }
0x6b: {  	_ =	shalt  }
0x6c: {  	_ =	shalt  }
0x6d: {  	_ =	shalt  }
0x6e: {  	_ =	shalt  }
0x6f: {  	_ =	shalt  }
0x70: {  	_ =	shalt  }
0x71: {  	_ =	shalt  }
0x72: {  	_ =	shalt  }
0x73: {  	_ =	shalt  }
0x74: {  	_ =	shalt  }
0x75: {  	_ =	shalt  }
0x76: {  	_ =	shalt  }
0x77: {  	_ =	shalt  }
0x78: {  	_ =	shalt  }
0x79: {  	_ =	shalt  }
0x7a: {  	_ =	shalt  }
0x7b: {  	_ =	shalt  }
0x7c: {  	_ =	shalt  }
0x7d: {  	_ =	shalt  }
0x7e: {  	_ =	shalt  }
0x7f: {  	_ =	shalt  }
0x80: {  	_ =	shalt  }
0x81: {  	_ =	shalt  }
0x82: {  	_ =	shalt  }
0x83: {  	_ =	shalt  }
0x84: {  	_ =	shalt  }
0x85: {  	_ =	shalt  }
0x86: {  	_ =	shalt  }
0x87: {  	_ =	shalt  }
.Lfunc_end0:
.L_simem_size_0:
called_computation_lowered:
.L_overlay_start_0:
0x88: {  	s2 =	sld [smem:$0x3FD9]  }
0x89: {  	s3 =	sld [smem:$0x3FFE];
	_ =	sdelay $0x1  }
0x8a: {  	s1 =	srdreg.scid  }
0x8b: {  	s0 =	sand.u32 $0x1, s1  }
0x8c: {  	s15 =	sshll.u32 s0, $0xA;
	s2 =	sadd.s32 s3, s2  }
0x8d: {  	s2 =	sadd.s32 s2, s15  }
0x8e: {  	[smem:$0x3FC5] =	sst s2  }
0x8f: {  	_ = 	snop  }
0x90: {  	s2 =	sld [smem:$0x3FD0];
	_ =	sdelay $0x1  }
0x91: {  	s16 =	sld [smem:$0x3FC9]  }
0x92: {  	s5 =	simm.s32 $0xA;
	s6 =	simm.s32 $0x10;
	s4 =	sld [smem:$0x3FC8]  }
0x93: {  	[smem:s6], [sflag:s5] =	dma.local [hbm:s2], $0x1  }
0x94: {  	_ =	swait.eq [sflag:s5], $0x1  }
0x95: {  	[sflag:s5] =	ssyncset.done $0x0  }
0x96: {  	[sflag:s5] =	ssyncadd.s32 $0xFFFFFFFF  }
0x97: {  	s17 =	sld [smem:$0x10];
	(tm) =	ssettm $0x1  }
0x98: {  	s18 =	sld [smem:$0x3FFB];
	_ =	sdelay $0x3  }
0x99: {  	_ =	strace s18  }
0x9a: {  	s5 =	sld [smem:$0x3FFC];
	_ =	sdelay $0x3  }
0x9b: {  	_ =	strace s5  }
0x9c: {  	s5 =	sld [smem:$0x3FFD];
	_ =	sdelay $0x3  }
0x9d: {  	_ =	strace s5  }
0x9e: {  	_ =	strace $0x8FFFFFFF  }
0x9f: {  	s19 =	sld [smem:$0x3FDB];
	_ =	sdelay $0x1  }
0xa0: {  	s20 =	simm.s32 $_scs_section_size  }
0xa1: {  	s7 =	simm.s32 $_size__tile_overlayer_lowered;
	s8 =	simm.s32 $_tile_overlayer_lowered  }
0xa2: {  	s23 =	simm.s32 $0x1BFF;
	s22 =	sshll.u32 s8, $0x1;
	s5 =	sadd.s32 s20, s19  }
0xa3: {  	s9 =	simm.s32 $0x0;
	s21 =	sshll.u32 s7, $0x1;
	s7 =	sadd.s32 s22, s5  }
0xa4: {  	[timem:s9], [sflag:s23] =	dma.local [hbm:s7], s21  }
0xa5: {  	_ =	swait.ge [sflag:s23], s21  }
0xa6: {  	s6 =	ssub.s32 $0x0, s21;
	[sflag:s23] =	ssyncset.done $0x0  }
0xa7: {  	[sflag:s23] =	ssyncadd.s32 s6;
	_ =	sdelay $0x1  }
0xa8: {  	s24 =	simm.s32 $0x1B8B  }
0xa9: {  	_ =	swait.ge [sflag:s24], $0x1  }
0xaa: {  	[sflag:s24] =	ssyncset.done $0x0  }
0xab: {  	s25 =	simm.s32 $0x1B8E;
	[sflag:s24] =	ssyncadd.s32 $0xFFFFFFFF  }
0xac: {  	s26 =	simm.s32 $execute0_lowered;
	[smem:$0x3FD2] =	sst s25  }
0xad: {  	s6 =	sshll.u32 s26, $0x1;
	_ =	strace $0x80000046;
	[dreg:$0x1] =	wrdreg $0xFFFFFFFF  }
0xae: {  	s28 =	simm.s32 $_size_execute0_lowered;
	s5 =	sadd.s32 s5, s6;
	[dreg:$0x0] =	wrdreg $0x0  }
0xaf: {  	s6 =	sshll.u32 s28, $0x1;
	[dreg:$0x2] =	wrdreg s5  }
0xb0: {  	[dreg:$0x3] =	wrdreg s6  }
0xb1: {  	[dreg:$0x4] =	wrdreg $0xC0  }
0xb2: {  	_ =	task [dreg:s9], $0x5FFFF  }
0xb3: {  	[dreg:$0x1] =	wrdreg $0xFFFFFFFF  }
0xb4: {  	[dreg:$0x0] =	wrdreg $0x60  }
0xb5: {  	[dreg:$0x2] =	wrdreg s16  }
0xb6: {  	[dreg:$0x3] =	wrdreg s4  }
0xb7: {  	[dreg:$0x4] =	wrdreg s17  }
0xb8: {  	[dreg:$0x5] =	wrdreg $0x9  }
0xb9: {  	_ =	task.clear_ibuf [dreg:s9], $0x6FFFF;
	_ =	strace $0x90000046  }
0xba: {  	s29 =	simm.s32 $0x9;
	_ =	strace $0x80000048  }
0xbb: {  	_ =	swait.ge [sflag:s29], $0x1  }
0xbc: {  	[sflag:s29] =	ssyncadd.s32 $0xFFFFFFFF  }
0xbd: {  	_ =	strace $0x90000048  }
0xbe: {  	_ =	sfence  }
0xbf: {  	s30 =	sld [smem:$0x0];
	_ =	sdelay $0x2  }
0xc0: {  	s31 =	sshll.u32 s1, $0xD;
	s1 =	sshrl.u32 s1, $0x2  }
0xc1: {  	s3 =	sand.u32 $0x4000, s31;
	s1 =	sadd.s32 s1, s30  }
0xc2: {  	s0 =	sor.u32 s3, s0;
	s1 =	sshll.u32 s1, $0x11  }
0xc3: {  	s0 =	sor.u32 s1, s0  }
0xc4: {  	s0 =	sadd.s32 $0x8F2B, s0  }
0xc5: {  	[sflag:s0] =	ssyncadd.remote.s32 $0x1  }
0xc6: {  	_ =	sfence.sel $0xFFFF  }
0xc7: {  	[dreg:$0x0] =	wrdreg $0xFFFFFFFF;
	(pc) =	sbr.abs _section_cstart, $3  }
0xc8: {  	[dreg:$0x1] =	wrdreg $0xFFFFFFFF  }
0xc9: {  	_ =	task.clear_ibuf [dreg:s9], $0x2FFFF;
	_ =	strace $0x9FFFFFFF  }
0xca: {  	(tm) =	ssettm $0x7FFFFFFF  }
0xcb: {  	_ =	shalt  }
tec
execute0_lowered:
.L_overlay_start_1:
0x0: {  	(tag) =	ssettag $0x1  }
0x1: {  	s1 =	rddreg [dreg:$0x0]  }
0x2: {  	s0 =	srdreg.scid;
	s2 =	rddreg [dreg:$0x1]  }
0x3: {  	s6 =	stileid.u32;
	s4 =	rddreg [dreg:$0x2]  }
0x4: {  	s18 =	simm.s32 $0xB;
	s10 =	simm.s32 $0x10100;
	s17 =	simm.s32 $0x10900  }
0x5: {  	s11 =	simm.s32 $0x11100;
	s12 =	simm.s32 $0x11900;
	s13 =	simm.s32 $0x12100  }
0x6: {  	s14 =	simm.s32 $0x18100;
	s0 =	sand.u32 $0x1, s0;
	s3 =	sshll.u32 s6, $0x9  }
0x7: {  	s6 =	sshrl.u32 s6, $0x2;
	s5 =	sshll.u32 s0, $0x8;
	s3 =	sand.u32 $0x600, s3  }
0x8: {  	s15 =	simm.s32 $0x6;
	s7 =	smul.u32 $0x180000, s6;
	s5 =	sor.u32 s5, s3  }
0x9: {  	s6 =	sshll.u32 s6, $0x7;
	s0 =	ssub.s32 $0x2, s0;
	s8 =	sshrl.u32 s5, $0x3  }
0xa: {  	s3 =	simm.s32 $0x0;
	s20 =	sshrl.u32 s0, $0x1;
	s8 =	smul.u32 $0x1800, s8  }
0xb: {  	[smem:$0x7FF] =	sst s3;
	s5 =	sshll.u32 s5, $0x2;
	s0 =	ssub.s32 s0, s20  }
0xc: {  	_ =	strace $0x80000047;
	s5 =	sor.u32 s6, s5;
	s19 =	sadd.s32 s7, s8  }
0xd: {  	s0 =	smax.u32 s0, $0x1;
	s5 =	sshrl.u32 s5, $0x3;
	s6 =	sshrl.u32 s19, $0x3  }
0xe: {  	[dreg:$0xc] =	wrdreg s0;
	s2 =	sadd.s32 s2, s5;
	s5 =	sadd.s32 s4, s6  }
0xf: {  	s28 =	simm.s32 $0x9;
	[dreg:$0x4] =	wrdreg s2;
	s21 =	sadd.s32 $0xC00, s5  }
0x10: {  	s29 =	simm.s32 $0xA;
	s22 =	sadd.s32 $0x1800, s5;
	[dreg:$0x5] =	wrdreg s21  }
0x11: {  	s30 =	simm.s32 $0x0;
	s23 =	sadd.s32 $0x2400, s5;
	[dreg:$0x6] =	wrdreg s22  }
0x12: {  	s20 =	simm.s32 $0x1;
	s24 =	sadd.s32 $0x3000, s5;
	[dreg:$0x7] =	wrdreg s23  }
0x13: {  	s7 =	sadd.s32 $0x200, s1;
	s25 =	sadd.s32 $0x3C00, s5;
	[dreg:$0x8] =	wrdreg s24  }
0x14: {  	s19 =	simm.s32 $0x100;
	s26 =	sadd.s32 $0x4800, s5;
	[dreg:$0x9] =	wrdreg s25  }
0x15: {  	s2 =	simm.s32 $0x6100;
	s31 =	sadd.s32 $0x5400, s5;
	[dreg:$0xa] =	wrdreg s26  }
0x16: {  	v2 =	vlaneseq.u32;
	s6 =	sadd.s32 $0x100, s1;
	s4 =	simm.s32 $0xC100;
	[dreg:$0xb] =	wrdreg s31  }
0x17: {  	vm0 =	vmmov $0xffff;
	v1 =	vshrl.u32 v2, $0x3;
	s21 =	simm.s32 $0x2;
	s22 =	simm.s32 $0x3;
	s23 =	simm.s32 $0x4  }
0x18: {  	v0 =	vand.u32 $0x7, v2;
	v2 =	vor.u32 $0x8, v2;
	v1 =	vmul.u32 $0x8, v1;
	s24 =	simm.s32 $0x7;
	s25 =	simm.s32 $0x5;
	s26 =	simm.s32 $0x8  }
.LBB2_1:
0x19: {  	s0 =	rddreg [dreg:$0x4];
	s8 =	simm.s32 $0x80;
	s9 =	simm.s32 $0x200  }
0x1a: {  	[tilespmem:s3], [sflag:$0xB] =	stream.strided.gather [hbm4b:s0+s8], $0x100, s9, s8, $0x38;
	[tilespmem:$0x1E100] =	vst v63  }
0x1b: {  	_ =	swait.ge [sflag:s18], $0x100  }
0x1c: {  	[sflag:s18] =	ssyncset.done $0x0  }
0x1d: {  	[sflag:s18] =	ssyncadd.s32 $0xFFFFFF00  }
0x1e: {  	v3 =	vld [tilespmem:$0x0];
	_ =	sdelay $0x4  }
0x1f: {  	v4 =	vshrl.u32 v3, $0x3  }
0x20: {  	v4 =	vmul.u32 $0x30, v4  }
0x21: {  	v3 =	vand.u32 $0x7, v3  }
0x22: {  	v3 =	vor.u32 v3, v4  }
0x23: {  	v4 =	vperm.xlane v3, v0;
	_ =	sdelay $0x1  }
0x24: {  	v4 =	vadd.s32 v1, v4;
	_ =	sdelay $0x3  }
0x25: {  	v3 =	vperm.xlane v3, v2  }
0x26: {  	[tilespmem:s19], [sflag:$0x1] =	stream.indirect_vreg.gather [hbm4b:s1+s3], $0x80, v4, vm0, $0xb8;
	[tilespmem:$0x1E100] =	vst v63  }
0x27: {  	s16 =	simm.s32 $0x900;
	v3 =	vadd.s32 v1, v3  }
0x28: {  	[tilespmem:s16], [sflag:$0x1] =	stream.indirect_vreg.gather [hbm4b:s6+s3], $0x80, v4, vm0, $0xb8;
	[tilespmem:$0x1E100] =	vst v63  }
0x29: {  	s8 =	simm.s32 $0x1100  }
0x2a: {  	[tilespmem:s8], [sflag:$0x1] =	stream.indirect_vreg.gather [hbm4b:s7+s3], $0x80, v4, vm0, $0xb8;
	[tilespmem:$0x1E100] =	vst v63  }
0x2b: {  	s9 =	simm.s32 $0x1900  }
0x2c: {  	[tilespmem:s9], [sflag:$0x1] =	stream.indirect_vreg.gather [hbm4b:s1+s3], $0x80, v3, vm0, $0xb8;
	[tilespmem:$0x1E100] =	vst v63  }
0x2d: {  	s16 =	simm.s32 $0x2100  }
0x2e: {  	[tilespmem:s16], [sflag:$0x1] =	stream.indirect_vreg.gather [hbm4b:s6+s3], $0x80, v3, vm0, $0xb8;
	[tilespmem:$0x1E100] =	vst v63  }
0x2f: {  	s8 =	simm.s32 $0x2900  }
0x30: {  	[tilespmem:s8], [sflag:$0x1] =	stream.indirect_vreg.gather [hbm4b:s7+s3], $0x80, v3, vm0, $0xb8;
	[tilespmem:$0x1E100] =	vst v63  }
0x31: {  	v3 =	vld [tilespmem:$0x10];
	_ =	sdelay $0x4  }
0x32: {  	v57 =	vshrl.u32 v3, $0x3  }
0x33: {  	v4 =	vmul.u32 $0x30, v57  }
0x34: {  	v3 =	vand.u32 $0x7, v3  }
0x35: {  	v3 =	vor.u32 v3, v4  }
0x36: {  	v4 =	vperm.xlane v3, v0;
	_ =	sdelay $0x1  }
0x37: {  	v4 =	vadd.s32 v1, v4;
	_ =	sdelay $0x3  }
0x38: {  	s9 =	simm.s32 $0x3100;
	v3 =	vperm.xlane v3, v2  }
0x39: {  	[tilespmem:s9], [sflag:$0x1] =	stream.indirect_vreg.gather [hbm4b:s1+s3], $0x80, v4, vm0, $0xb8;
	[tilespmem:$0x1E100] =	vst v63  }
0x3a: {  	s16 =	simm.s32 $0x3900;
	v3 =	vadd.s32 v1, v3  }
0x3b: {  	[tilespmem:s16], [sflag:$0x1] =	stream.indirect_vreg.gather [hbm4b:s6+s3], $0x80, v4, vm0, $0xb8;
	[tilespmem:$0x1E100] =	vst v63  }
0x3c: {  	s8 =	simm.s32 $0x4100  }
0x3d: {  	[tilespmem:s8], [sflag:$0x1] =	stream.indirect_vreg.gather [hbm4b:s7+s3], $0x80, v4, vm0, $0xb8;
	[tilespmem:$0x1E100] =	vst v63  }
0x3e: {  	s9 =	simm.s32 $0x4900  }
0x3f: {  	[tilespmem:s9], [sflag:$0x1] =	stream.indirect_vreg.gather [hbm4b:s1+s3], $0x80, v3, vm0, $0xb8;
	[tilespmem:$0x1E100] =	vst v63  }
0x40: {  	s16 =	simm.s32 $0x5100  }
0x41: {  	[tilespmem:s16], [sflag:$0x1] =	stream.indirect_vreg.gather [hbm4b:s6+s3], $0x80, v3, vm0, $0xb8;
	[tilespmem:$0x1E100] =	vst v63  }
0x42: {  	s8 =	simm.s32 $0x5900  }
0x43: {  	[tilespmem:s8], [sflag:$0x1] =	stream.indirect_vreg.gather [hbm4b:s7+s3], $0x80, v3, vm0, $0xb8;
	[tilespmem:$0x1E100] =	vst v63  }
0x44: {  	v3 =	vld [tilespmem:$0x20];
	_ =	sdelay $0x4  }
0x45: {  	v58 =	vshrl.u32 v3, $0x3  }
0x46: {  	v4 =	vmul.u32 $0x30, v58  }
0x47: {  	v3 =	vand.u32 $0x7, v3  }
0x48: {  	v3 =	vor.u32 v3, v4  }
0x49: {  	v4 =	vperm.xlane v3, v0;
	_ =	sdelay $0x1  }
0x4a: {  	v4 =	vadd.s32 v1, v4;
	_ =	sdelay $0x3  }
0x4b: {  	v3 =	vperm.xlane v3, v2  }
0x4c: {  	[tilespmem:s2], [sflag:$0x2] =	stream.indirect_vreg.gather [hbm4b:s1+s3], $0x80, v4, vm0, $0xb8;
	[tilespmem:$0x1E100] =	vst v63  }
0x4d: {  	s9 =	simm.s32 $0x6900;
	v3 =	vadd.s32 v1, v3  }
0x4e: {  	[tilespmem:s9], [sflag:$0x2] =	stream.indirect_vreg.gather [hbm4b:s6+s3], $0x80, v4, vm0, $0xb8;
	[tilespmem:$0x1E100] =	vst v63  }
0x4f: {  	s16 =	simm.s32 $0x7100  }
0x50: {  	[tilespmem:s16], [sflag:$0x2] =	stream.indirect_vreg.gather [hbm4b:s7+s3], $0x80, v4, vm0, $0xb8;
	[tilespmem:$0x1E100] =	vst v63  }
0x51: {  	s8 =	simm.s32 $0x7900  }
0x52: {  	[tilespmem:s8], [sflag:$0x2] =	stream.indirect_vreg.gather [hbm4b:s1+s3], $0x80, v3, vm0, $0xb8;
	[tilespmem:$0x1E100] =	vst v63  }
0x53: {  	s9 =	simm.s32 $0x8100  }
0x54: {  	[tilespmem:s9], [sflag:$0x2] =	stream.indirect_vreg.gather [hbm4b:s6+s3], $0x80, v3, vm0, $0xb8;
	[tilespmem:$0x1E100] =	vst v63  }
0x55: {  	s16 =	simm.s32 $0x8900  }
0x56: {  	[tilespmem:s16], [sflag:$0x2] =	stream.indirect_vreg.gather [hbm4b:s7+s3], $0x80, v3, vm0, $0xb8;
	[tilespmem:$0x1E100] =	vst v63  }
0x57: {  	v3 =	vld [tilespmem:$0x30];
	_ =	sdelay $0x4  }
0x58: {  	v59 =	vshrl.u32 v3, $0x3  }
0x59: {  	v4 =	vmul.u32 $0x30, v59  }
0x5a: {  	v3 =	vand.u32 $0x7, v3  }
0x5b: {  	v3 =	vor.u32 v3, v4  }
0x5c: {  	v4 =	vperm.xlane v3, v0;
	_ =	sdelay $0x1  }
0x5d: {  	v4 =	vadd.s32 v1, v4;
	_ =	sdelay $0x3  }
0x5e: {  	s8 =	simm.s32 $0x9100;
	v3 =	vperm.xlane v3, v2  }
0x5f: {  	[tilespmem:s8], [sflag:$0x2] =	stream.indirect_vreg.gather [hbm4b:s1+s3], $0x80, v4, vm0, $0xb8;
	[tilespmem:$0x1E100] =	vst v63  }
0x60: {  	s9 =	simm.s32 $0x9900;
	v3 =	vadd.s32 v1, v3  }
0x61: {  	[tilespmem:s9], [sflag:$0x2] =	stream.indirect_vreg.gather [hbm4b:s6+s3], $0x80, v4, vm0, $0xb8;
	[tilespmem:$0x1E100] =	vst v63  }
0x62: {  	s16 =	simm.s32 $0xA100  }
0x63: {  	[tilespmem:s16], [sflag:$0x2] =	stream.indirect_vreg.gather [hbm4b:s7+s3], $0x80, v4, vm0, $0xb8;
	[tilespmem:$0x1E100] =	vst v63  }
0x64: {  	s8 =	simm.s32 $0xA900  }
0x65: {  	[tilespmem:s8], [sflag:$0x2] =	stream.indirect_vreg.gather [hbm4b:s1+s3], $0x80, v3, vm0, $0xb8;
	[tilespmem:$0x1E100] =	vst v63  }
0x66: {  	s9 =	simm.s32 $0xB100  }
0x67: {  	[tilespmem:s9], [sflag:$0x2] =	stream.indirect_vreg.gather [hbm4b:s6+s3], $0x80, v3, vm0, $0xb8;
	[tilespmem:$0x1E100] =	vst v63  }
0x68: {  	s16 =	simm.s32 $0xB900  }
0x69: {  	[tilespmem:s16], [sflag:$0x2] =	stream.indirect_vreg.gather [hbm4b:s7+s3], $0x80, v3, vm0, $0xb8;
	[tilespmem:$0x1E100] =	vst v63  }
0x6a: {  	v3 =	vld [tilespmem:$0x40];
	_ =	sdelay $0x4  }
0x6b: {  	v60 =	vshrl.u32 v3, $0x3  }
0x6c: {  	v4 =	vmul.u32 $0x30, v60  }
0x6d: {  	v3 =	vand.u32 $0x7, v3  }
0x6e: {  	v3 =	vor.u32 v3, v4  }
0x6f: {  	v4 =	vperm.xlane v3, v0;
	_ =	sdelay $0x1  }
0x70: {  	v4 =	vadd.s32 v1, v4;
	_ =	sdelay $0x3  }
0x71: {  	v3 =	vperm.xlane v3, v2  }
0x72: {  	[tilespmem:s4], [sflag:$0x3] =	stream.indirect_vreg.gather [hbm4b:s1+s3], $0x80, v4, vm0, $0xb8;
	[tilespmem:$0x1E100] =	vst v63  }
0x73: {  	s8 =	simm.s32 $0xC900;
	v3 =	vadd.s32 v1, v3  }
0x74: {  	[tilespmem:s8], [sflag:$0x3] =	stream.indirect_vreg.gather [hbm4b:s6+s3], $0x80, v4, vm0, $0xb8;
	[tilespmem:$0x1E100] =	vst v63  }
0x75: {  	s9 =	simm.s32 $0xD100  }
0x76: {  	[tilespmem:s9], [sflag:$0x3] =	stream.indirect_vreg.gather [hbm4b:s7+s3], $0x80, v4, vm0, $0xb8;
	[tilespmem:$0x1E100] =	vst v63  }
0x77: {  	s16 =	simm.s32 $0xD900  }
0x78: {  	[tilespmem:s16], [sflag:$0x3] =	stream.indirect_vreg.gather [hbm4b:s1+s3], $0x80, v3, vm0, $0xb8;
	[tilespmem:$0x1E100] =	vst v63  }
0x79: {  	s8 =	simm.s32 $0xE100  }
0x7a: {  	[tilespmem:s8], [sflag:$0x3] =	stream.indirect_vreg.gather [hbm4b:s6+s3], $0x80, v3, vm0, $0xb8;
	[tilespmem:$0x1E100] =	vst v63  }
0x7b: {  	s9 =	simm.s32 $0xE900  }
0x7c: {  	[tilespmem:s9], [sflag:$0x3] =	stream.indirect_vreg.gather [hbm4b:s7+s3], $0x80, v3, vm0, $0xb8;
	[tilespmem:$0x1E100] =	vst v63  }
0x7d: {  	v3 =	vld [tilespmem:$0x50];
	_ =	sdelay $0x4  }
0x7e: {  	v61 =	vshrl.u32 v3, $0x3  }
0x7f: {  	v4 =	vmul.u32 $0x30, v61  }
0x80: {  	v3 =	vand.u32 $0x7, v3  }
0x81: {  	v3 =	vor.u32 v3, v4  }
0x82: {  	v4 =	vperm.xlane v3, v0;
	_ =	sdelay $0x1  }
0x83: {  	v4 =	vadd.s32 v1, v4;
	_ =	sdelay $0x3  }
0x84: {  	s16 =	simm.s32 $0xF100;
	v3 =	vperm.xlane v3, v2  }
0x85: {  	[tilespmem:s16], [sflag:$0x3] =	stream.indirect_vreg.gather [hbm4b:s1+s3], $0x80, v4, vm0, $0xb8;
	[tilespmem:$0x1E100] =	vst v63  }
0x86: {  	s8 =	simm.s32 $0xF900;
	v3 =	vadd.s32 v1, v3  }
0x87: {  	[tilespmem:s8], [sflag:$0x3] =	stream.indirect_vreg.gather [hbm4b:s6+s3], $0x80, v4, vm0, $0xb8;
	[tilespmem:$0x1E100] =	vst v63  }
0x88: {  	_ = 	snop  }
0x89: {  	[tilespmem:s10], [sflag:$0x3] =	stream.indirect_vreg.gather [hbm4b:s7+s3], $0x80, v4, vm0, $0xb8;
	[tilespmem:$0x1E100] =	vst v63  }
0x8a: {  	_ = 	snop  }
0x8b: {  	[tilespmem:s17], [sflag:$0x3] =	stream.indirect_vreg.gather [hbm4b:s1+s3], $0x80, v3, vm0, $0xb8;
	[tilespmem:$0x1E100] =	vst v63  }
0x8c: {  	_ = 	snop  }
0x8d: {  	[tilespmem:s11], [sflag:$0x3] =	stream.indirect_vreg.gather [hbm4b:s6+s3], $0x80, v3, vm0, $0xb8;
	[tilespmem:$0x1E100] =	vst v63  }
0x8e: {  	_ = 	snop  }
0x8f: {  	[tilespmem:s12], [sflag:$0x3] =	stream.indirect_vreg.gather [hbm4b:s7+s3], $0x80, v3, vm0, $0xb8;
	[tilespmem:$0x1E100] =	vst v63  }
0x90: {  	_ =	swait.ge [sflag:s20], $0x6000  }
0x91: {  	[sflag:s20] =	ssyncset.done $0x0  }
0x92: {  	[sflag:s20] =	ssyncadd.s32 $0xFFFFA000  }
0x93: {  	v3 =	vld [tilespmem:$0x60];
	_ =	sdelay $0x4  }
0x94: {  	v62 =	vshrl.u32 v3, $0x3  }
0x95: {  	v4 =	vmul.u32 $0x30, v62  }
0x96: {  	v3 =	vand.u32 $0x7, v3  }
0x97: {  	v3 =	vor.u32 v3, v4  }
0x98: {  	v4 =	vperm.xlane v3, v0;
	_ =	sdelay $0x1  }
0x99: {  	v4 =	vadd.s32 v1, v4;
	_ =	sdelay $0x3  }
0x9a: {  	v3 =	vperm.xlane v3, v2  }
0x9b: {  	[tilespmem:s13], [sflag:$0x4] =	stream.indirect_vreg.gather [hbm4b:s1+s3], $0x80, v4, vm0, $0xb8;
	[tilespmem:$0x1E100] =	vst v63  }
0x9c: {  	s9 =	simm.s32 $0x12900;
	v3 =	vadd.s32 v1, v3  }
0x9d: {  	[tilespmem:s9], [sflag:$0x4] =	stream.indirect_vreg.gather [hbm4b:s6+s3], $0x80, v4, vm0, $0xb8;
	[tilespmem:$0x1E100] =	vst v63  }
0x9e: {  	s16 =	simm.s32 $0x13100  }
0x9f: {  	[tilespmem:s16], [sflag:$0x4] =	stream.indirect_vreg.gather [hbm4b:s7+s3], $0x80, v4, vm0, $0xb8;
	[tilespmem:$0x1E100] =	vst v63  }
0xa0: {  	s8 =	simm.s32 $0x13900  }
0xa1: {  	[tilespmem:s8], [sflag:$0x4] =	stream.indirect_vreg.gather [hbm4b:s1+s3], $0x80, v3, vm0, $0xb8;
	[tilespmem:$0x1E100] =	vst v63  }
0xa2: {  	s9 =	simm.s32 $0x14100  }
0xa3: {  	[tilespmem:s9], [sflag:$0x4] =	stream.indirect_vreg.gather [hbm4b:s6+s3], $0x80, v3, vm0, $0xb8;
	[tilespmem:$0x1E100] =	vst v63  }
0xa4: {  	s16 =	simm.s32 $0x14900  }
0xa5: {  	[tilespmem:s16], [sflag:$0x4] =	stream.indirect_vreg.gather [hbm4b:s7+s3], $0x80, v3, vm0, $0xb8;
	[tilespmem:$0x1E100] =	vst v63  }
0xa6: {  	v3 =	vld [tilespmem:$0x70];
	_ =	sdelay $0x4  }
0xa7: {  	v63 =	vshrl.u32 v3, $0x3  }
0xa8: {  	v4 =	vmul.u32 $0x30, v63  }
0xa9: {  	v3 =	vand.u32 $0x7, v3  }
0xaa: {  	v3 =	vor.u32 v3, v4  }
0xab: {  	v4 =	vperm.xlane v3, v0;
	_ =	sdelay $0x1  }
0xac: {  	v4 =	vadd.s32 v1, v4;
	_ =	sdelay $0x3  }
0xad: {  	s8 =	simm.s32 $0x15100;
	v3 =	vperm.xlane v3, v2  }
0xae: {  	[tilespmem:s8], [sflag:$0x4] =	stream.indirect_vreg.gather [hbm4b:s1+s3], $0x80, v4, vm0, $0xb8;
	[tilespmem:$0x1E100] =	vst v63  }
0xaf: {  	s9 =	simm.s32 $0x15900;
	v3 =	vadd.s32 v1, v3  }
0xb0: {  	[tilespmem:s9], [sflag:$0x4] =	stream.indirect_vreg.gather [hbm4b:s6+s3], $0x80, v4, vm0, $0xb8;
	[tilespmem:$0x1E100] =	vst v63  }
0xb1: {  	s16 =	simm.s32 $0x16100  }
0xb2: {  	[tilespmem:s16], [sflag:$0x4] =	stream.indirect_vreg.gather [hbm4b:s7+s3], $0x80, v4, vm0, $0xb8;
	[tilespmem:$0x1E100] =	vst v63  }
0xb3: {  	s8 =	simm.s32 $0x16900  }
0xb4: {  	[tilespmem:s8], [sflag:$0x4] =	stream.indirect_vreg.gather [hbm4b:s1+s3], $0x80, v3, vm0, $0xb8;
	[tilespmem:$0x1E100] =	vst v63  }
0xb5: {  	s9 =	simm.s32 $0x17100  }
0xb6: {  	[tilespmem:s9], [sflag:$0x4] =	stream.indirect_vreg.gather [hbm4b:s6+s3], $0x80, v3, vm0, $0xb8;
	[tilespmem:$0x1E100] =	vst v63  }
0xb7: {  	s31 =	simm.s32 $0x0;
	s16 =	simm.s32 $0x17900;
	s8 =	simm.s32 $0x0  }
0xb8: {  	[tilespmem:s16], [sflag:$0x4] =	stream.indirect_vreg.gather [hbm4b:s7+s3], $0x80, v3, vm0, $0xb8;
	[tilespmem:$0x1E100] =	vst v63  }
.LBB2_2:
0xb9: {  	s0 =	sshrl.u32 s8, $0x3  }
0xba: {  	s9 =	sand.u32 $0x7, s31;
	s0 =	smul.u32 $0x6000, s0  }
0xbb: {  	s9 =	sshll.u32 s9, $0x9  }
0xbc: {  	s0 =	sor.u32 s9, s0  }
0xbd: {  	s0 =	sshra.s32 s0, $0x2  }
0xbe: {  	s0 =	sadd.s32 $0x500, s0  }
0xbf: {  	v3 =	vld [tilespmem:s0+$0x70]  }
0xc0: {  	v4 =	vld [tilespmem:s0+$0xFFFFFC10]  }
0xc1: {  	v5 =	vld [tilespmem:s0+$0xFFFFFC20]  }
0xc2: {  	v6 =	vld [tilespmem:s0+$0xFFFFFC30]  }
0xc3: {  	v7 =	vld [tilespmem:s0+$0xFFFFFC40]  }
0xc4: {  	v8 =	vld [tilespmem:s0+$0xFFFFFC50];
	v3 =	vmul.f32 $2.771281240e+01, v3  }
0xc5: {  	v9 =	vld [tilespmem:s0+$0xFFFFFC60];
	v4 =	vmul.f32 $2.771281240e+01, v4  }
0xc6: {  	v10 =	vld [tilespmem:s0+$0xFFFFFC70];
	v5 =	vmul.f32 $2.771281240e+01, v5;
	[tilespmem:s0+$0x70] =	vst v3  }
0xc7: {  	[tilespmem:s0+$0xFFFFFC10] =	vst v4;
	v3 =	vmul.f32 $2.771281240e+01, v6;
	v6 =	vld [tilespmem:s0+$0x0]  }
0xc8: {  	[tilespmem:s0+$0xFFFFFC20] =	vst v5;
	v4 =	vmul.f32 $2.771281240e+01, v7;
	v7 =	vld [tilespmem:s0+$0x10]  }
0xc9: {  	v11 =	vld [tilespmem:s0+$0x20];
	v5 =	vmul.f32 $2.771281240e+01, v8;
	[tilespmem:s0+$0xFFFFFC30] =	vst v3  }
0xca: {  	v8 =	vmul.f32 $2.771281240e+01, v9;
	[tilespmem:s0+$0xFFFFFC40] =	vst v4;
	v3 =	vld [tilespmem:s0+$0x30]  }
0xcb: {  	v9 =	vmul.f32 $2.771281240e+01, v10;
	[tilespmem:s0+$0xFFFFFC50] =	vst v5;
	v4 =	vld [tilespmem:s0+$0x40]  }
0xcc: {  	[tilespmem:s0+$0xFFFFFC60] =	vst v8;
	v5 =	vld [tilespmem:s0+$0x50];
	v10 =	vmul.f32 $2.771281240e+01, v6  }
0xcd: {  	[tilespmem:s0+$0xFFFFFC70] =	vst v9;
	v6 =	vld [tilespmem:s0+$0x60];
	v8 =	vmul.f32 $2.771281240e+01, v7  }
0xce: {  	s9 =	simm.s32 $0x0;
	s16 =	sadd.s32 $0x800, s0;
	v9 =	vmul.f32 $2.771281240e+01, v11;
	v7 =	vld [tilespmem:s0+$0xFFFFFC00];
	[tilespmem:s0+$0x0] =	vst v10  }
.LBB2_3:
0xcf: {  	v10 =	vld [tilespmem:s16+$0x70];
	s9 =	sadd.s32 $0x10, s9;
	[tilespmem:s0+$0x10] =	vst v8;
	v3 =	vmul.f32 $2.771281240e+01, v3  }
0xd0: {  	v8 =	vld [tilespmem:s16+$0xFFFFFC10];
	p0 =	slt.u32 s9, $0x20;
	[tilespmem:s0+$0x20] =	vst v9;
	v4 =	vmul.f32 $2.771281240e+01, v4  }
0xd1: {  	v9 =	vld [tilespmem:s16+$0xFFFFFC20];
	[tilespmem:s0+$0x30] =	vst v3;
	v3 =	vmul.f32 $2.771281240e+01, v5  }
0xd2: {  	v5 =	vld [tilespmem:s16+$0xFFFFFC30];
	[tilespmem:s0+$0x40] =	vst v4;
	v4 =	vmul.f32 $2.771281240e+01, v6  }
0xd3: {  	v6 =	vld [tilespmem:s16+$0xFFFFFC40];
	v7 =	vmul.f32 $2.771281240e+01, v7;
	[tilespmem:s0+$0x50] =	vst v3  }
0xd4: {  	v3 =	vld [tilespmem:s16+$0xFFFFFC50];
	v10 =	vmul.f32 $2.771281240e+01, v10;
	[tilespmem:s0+$0x60] =	vst v4  }
0xd5: {  	v4 =	vmul.f32 $2.771281240e+01, v8;
	v8 =	vld [tilespmem:s16+$0xFFFFFC60];
	[tilespmem:s0+$0xFFFFFC00] =	vst v7;
	s0 =	smov.u32 s16  }
0xd6: {  	v7 =	vmul.f32 $2.771281240e+01, v9;
	v9 =	vld [tilespmem:s16+$0xFFFFFC70];
	[tilespmem:s16+$0x70] =	vst v10  }
0xd7: {  	[tilespmem:s16+$0xFFFFFC10] =	vst v4;
	v4 =	vmul.f32 $2.771281240e+01, v5;
	v5 =	vld [tilespmem:s16+$0x0]  }
0xd8: {  	[tilespmem:s16+$0xFFFFFC20] =	vst v7;
	v6 =	vmul.f32 $2.771281240e+01, v6;
	v7 =	vld [tilespmem:s16+$0x10]  }
0xd9: {  	[tilespmem:s16+$0xFFFFFC30] =	vst v4;
	v4 =	vmul.f32 $2.771281240e+01, v3;
	v10 =	vld [tilespmem:s16+$0x20]  }
.Ltmp0:
0xda: {  	[tilespmem:s16+$0xFFFFFC40] =	vst v6;
	v6 =	vmul.f32 $2.771281240e+01, v8;
	v3 =	vld [tilespmem:s16+$0x30];
	(pc) =	sbr.rel @p0 .LBB2_3-.Ltmp0, $4  }
0xdb: {  	[tilespmem:s16+$0xFFFFFC50] =	vst v4;
	v8 =	vmul.f32 $2.771281240e+01, v9;
	v4 =	vld [tilespmem:s16+$0x40]  }
0xdc: {  	[tilespmem:s16+$0xFFFFFC60] =	vst v6;
	v9 =	vmul.f32 $2.771281240e+01, v5;
	v5 =	vld [tilespmem:s16+$0x50]  }
0xdd: {  	[tilespmem:s16+$0xFFFFFC70] =	vst v8;
	v8 =	vmul.f32 $2.771281240e+01, v7;
	v6 =	vld [tilespmem:s16+$0x60]  }
0xde: {  	s16 =	sadd.s32 $0x800, s16;
	v7 =	vld [tilespmem:s0+$0xFFFFFC00];
	[tilespmem:s0+$0x0] =	vst v9;
	v9 =	vmul.f32 $2.771281240e+01, v10  }
0xdf: {  	[tilespmem:s0+$0x10] =	vst v8;
	v3 =	vmul.f32 $2.771281240e+01, v3;
	s8 =	sadd.s32 $0x1, s8  }
0xe0: {  	[tilespmem:s0+$0x20] =	vst v9;
	v4 =	vmul.f32 $2.771281240e+01, v4;
	p0 =	sne.s32 s8, $0x20  }
.Ltmp1:
0xe1: {  	[tilespmem:s0+$0x30] =	vst v3;
	v3 =	vmul.f32 $2.771281240e+01, v5;
	(pc) =	sbr.rel @p0 .LBB2_2-.Ltmp1, $4  }
0xe2: {  	[tilespmem:s0+$0x40] =	vst v4;
	v62 =	vmul.f32 $2.771281240e+01, v6  }
0xe3: {  	v63 =	vmul.f32 $2.771281240e+01, v7;
	[tilespmem:s0+$0x50] =	vst v3  }
0xe4: {  	[tilespmem:s0+$0x60] =	vst v62  }
0xe5: {  	s31 =	sadd.s32 $0x1, s31;
	[tilespmem:s0+$0xFFFFFC00] =	vst v63  }
0xe6: {  	s31 =	simm.s32 $0x0  }
0xe7: {  	[hbm4b:s5+s31] =	stream.linear.scatter [tilespmem:s19], [sflag:$0x6], $0x6000, $0x38;
	[tilespmem:$0x1E100] =	vst v63  }
0xe8: {  	_ =	swait.ge [sflag:s21], $0x6000  }
0xe9: {  	[sflag:s21] =	ssyncset.done $0x0  }
0xea: {  	[sflag:s21] =	ssyncadd.s32 $0xFFFFA000  }
0xeb: {  	v3 =	vld [tilespmem:$0x80];
	_ =	sdelay $0x4  }
0xec: {  	v4 =	vshrl.u32 v3, $0x3  }
0xed: {  	v4 =	vmul.u32 $0x30, v4  }
0xee: {  	v3 =	vand.u32 $0x7, v3  }
0xef: {  	v3 =	vor.u32 v3, v4  }
0xf0: {  	v4 =	vperm.xlane v3, v0;
	_ =	sdelay $0x1  }
0xf1: {  	v4 =	vadd.s32 v1, v4;
	_ =	sdelay $0x3  }
0xf2: {  	v3 =	vperm.xlane v3, v2  }
0xf3: {  	[tilespmem:s14], [sflag:$0x5] =	stream.indirect_vreg.gather [hbm4b:s1+s31], $0x80, v4, vm0, $0xb8;
	[tilespmem:$0x1E100] =	vst v63  }
0xf4: {  	s0 =	simm.s32 $0x18900;
	v3 =	vadd.s32 v1, v3  }
0xf5: {  	[tilespmem:s0], [sflag:$0x5] =	stream.indirect_vreg.gather [hbm4b:s6+s31], $0x80, v4, vm0, $0xb8;
	[tilespmem:$0x1E100] =	vst v63  }
0xf6: {  	s16 =	simm.s32 $0x19100  }
0xf7: {  	[tilespmem:s16], [sflag:$0x5] =	stream.indirect_vreg.gather [hbm4b:s7+s31], $0x80, v4, vm0, $0xb8;
	[tilespmem:$0x1E100] =	vst v63  }
0xf8: {  	s8 =	simm.s32 $0x19900  }
0xf9: {  	[tilespmem:s8], [sflag:$0x5] =	stream.indirect_vreg.gather [hbm4b:s1+s31], $0x80, v3, vm0, $0xb8;
	[tilespmem:$0x1E100] =	vst v63  }
0xfa: {  	s9 =	simm.s32 $0x1A100  }
0xfb: {  	[tilespmem:s9], [sflag:$0x5] =	stream.indirect_vreg.gather [hbm4b:s6+s31], $0x80, v3, vm0, $0xb8;
	[tilespmem:$0x1E100] =	vst v63  }
0xfc: {  	s16 =	simm.s32 $0x1A900  }
0xfd: {  	[tilespmem:s16], [sflag:$0x5] =	stream.indirect_vreg.gather [hbm4b:s7+s31], $0x80, v3, vm0, $0xb8;
	[tilespmem:$0x1E100] =	vst v63  }
0xfe: {  	v3 =	vld [tilespmem:$0x90];
	_ =	sdelay $0x4  }
0xff: {  	v63 =	vshrl.u32 v3, $0x3  }
0x100: {  	v4 =	vmul.u32 $0x30, v63  }
0x101: {  	v3 =	vand.u32 $0x7, v3  }
0x102: {  	v3 =	vor.u32 v3, v4  }
0x103: {  	v4 =	vperm.xlane v3, v0;
	_ =	sdelay $0x1  }
0x104: {  	v4 =	vadd.s32 v1, v4;
	_ =	sdelay $0x3  }
0x105: {  	s8 =	simm.s32 $0x1B100;
	v3 =	vperm.xlane v3, v2  }
0x106: {  	[tilespmem:s8], [sflag:$0x5] =	stream.indirect_vreg.gather [hbm4b:s1+s31], $0x80, v4, vm0, $0xb8;
	[tilespmem:$0x1E100] =	vst v63  }
0x107: {  	s9 =	simm.s32 $0x1B900;
	v3 =	vadd.s32 v1, v3  }
0x108: {  	[tilespmem:s9], [sflag:$0x5] =	stream.indirect_vreg.gather [hbm4b:s6+s31], $0x80, v4, vm0, $0xb8;
	[tilespmem:$0x1E100] =	vst v63  }
0x109: {  	s16 =	simm.s32 $0x1C100  }
0x10a: {  	[tilespmem:s16], [sflag:$0x5] =	stream.indirect_vreg.gather [hbm4b:s7+s31], $0x80, v4, vm0, $0xb8;
	[tilespmem:$0x1E100] =	vst v63  }
0x10b: {  	s8 =	simm.s32 $0x1C900  }
0x10c: {  	[tilespmem:s8], [sflag:$0x5] =	stream.indirect_vreg.gather [hbm4b:s1+s31], $0x80, v3, vm0, $0xb8;
	[tilespmem:$0x1E100] =	vst v63  }
0x10d: {  	s9 =	simm.s32 $0x1D100  }
0x10e: {  	[tilespmem:s9], [sflag:$0x5] =	stream.indirect_vreg.gather [hbm4b:s6+s31], $0x80, v3, vm0, $0xb8;
	[tilespmem:$0x1E100] =	vst v63  }
0x10f: {  	s16 =	simm.s32 $0x1D900;
	s8 =	simm.s32 $0x0  }
0x110: {  	[tilespmem:s16], [sflag:$0x5] =	stream.indirect_vreg.gather [hbm4b:s7+s31], $0x80, v3, vm0, $0xb8;
	[tilespmem:$0x1E100] =	vst v63  }
.LBB2_6:
0x111: {  	s0 =	sshrl.u32 s8, $0x3  }
0x112: {  	s9 =	sand.u32 $0x7, s31;
	s0 =	smul.u32 $0x6000, s0  }
0x113: {  	s9 =	sshll.u32 s9, $0x9  }
0x114: {  	s0 =	sor.u32 s9, s0  }
0x115: {  	s0 =	sshra.s32 s0, $0x2  }
0x116: {  	s0 =	sadd.s32 $0x6500, s0  }
0x117: {  	v3 =	vld [tilespmem:s0+$0x70]  }
0x118: {  	v4 =	vld [tilespmem:s0+$0xFFFFFC10]  }
0x119: {  	v5 =	vld [tilespmem:s0+$0xFFFFFC20]  }
0x11a: {  	v6 =	vld [tilespmem:s0+$0xFFFFFC30]  }
0x11b: {  	v7 =	vld [tilespmem:s0+$0xFFFFFC40]  }
0x11c: {  	v8 =	vld [tilespmem:s0+$0xFFFFFC50];
	v3 =	vmul.f32 $2.771281240e+01, v3  }
0x11d: {  	v9 =	vld [tilespmem:s0+$0xFFFFFC60];
	v4 =	vmul.f32 $2.771281240e+01, v4  }
0x11e: {  	v10 =	vld [tilespmem:s0+$0xFFFFFC70];
	v5 =	vmul.f32 $2.771281240e+01, v5;
	[tilespmem:s0+$0x70] =	vst v3  }
0x11f: {  	[tilespmem:s0+$0xFFFFFC10] =	vst v4;
	v3 =	vmul.f32 $2.771281240e+01, v6;
	v6 =	vld [tilespmem:s0+$0x0]  }
0x120: {  	[tilespmem:s0+$0xFFFFFC20] =	vst v5;
	v4 =	vmul.f32 $2.771281240e+01, v7;
	v7 =	vld [tilespmem:s0+$0x10]  }
0x121: {  	v11 =	vld [tilespmem:s0+$0x20];
	v5 =	vmul.f32 $2.771281240e+01, v8;
	[tilespmem:s0+$0xFFFFFC30] =	vst v3  }
0x122: {  	v8 =	vmul.f32 $2.771281240e+01, v9;
	[tilespmem:s0+$0xFFFFFC40] =	vst v4;
	v3 =	vld [tilespmem:s0+$0x30]  }
0x123: {  	v9 =	vmul.f32 $2.771281240e+01, v10;
	[tilespmem:s0+$0xFFFFFC50] =	vst v5;
	v4 =	vld [tilespmem:s0+$0x40]  }
0x124: {  	[tilespmem:s0+$0xFFFFFC60] =	vst v8;
	v5 =	vld [tilespmem:s0+$0x50];
	v10 =	vmul.f32 $2.771281240e+01, v6  }
0x125: {  	[tilespmem:s0+$0xFFFFFC70] =	vst v9;
	v6 =	vld [tilespmem:s0+$0x60];
	v8 =	vmul.f32 $2.771281240e+01, v7  }
0x126: {  	s9 =	simm.s32 $0x0;
	s16 =	sadd.s32 $0x800, s0;
	v9 =	vmul.f32 $2.771281240e+01, v11;
	v7 =	vld [tilespmem:s0+$0xFFFFFC00];
	[tilespmem:s0+$0x0] =	vst v10  }
.LBB2_7:
0x127: {  	v10 =	vld [tilespmem:s16+$0x70];
	s9 =	sadd.s32 $0x10, s9;
	[tilespmem:s0+$0x10] =	vst v8;
	v3 =	vmul.f32 $2.771281240e+01, v3  }
0x128: {  	v8 =	vld [tilespmem:s16+$0xFFFFFC10];
	p0 =	slt.u32 s9, $0x20;
	[tilespmem:s0+$0x20] =	vst v9;
	v4 =	vmul.f32 $2.771281240e+01, v4  }
0x129: {  	v9 =	vld [tilespmem:s16+$0xFFFFFC20];
	[tilespmem:s0+$0x30] =	vst v3;
	v3 =	vmul.f32 $2.771281240e+01, v5  }
0x12a: {  	v5 =	vld [tilespmem:s16+$0xFFFFFC30];
	[tilespmem:s0+$0x40] =	vst v4;
	v4 =	vmul.f32 $2.771281240e+01, v6  }
0x12b: {  	v6 =	vld [tilespmem:s16+$0xFFFFFC40];
	v7 =	vmul.f32 $2.771281240e+01, v7;
	[tilespmem:s0+$0x50] =	vst v3  }
0x12c: {  	v3 =	vld [tilespmem:s16+$0xFFFFFC50];
	v10 =	vmul.f32 $2.771281240e+01, v10;
	[tilespmem:s0+$0x60] =	vst v4  }
0x12d: {  	v4 =	vmul.f32 $2.771281240e+01, v8;
	v8 =	vld [tilespmem:s16+$0xFFFFFC60];
	[tilespmem:s0+$0xFFFFFC00] =	vst v7;
	s0 =	smov.u32 s16  }
0x12e: {  	v7 =	vmul.f32 $2.771281240e+01, v9;
	v9 =	vld [tilespmem:s16+$0xFFFFFC70];
	[tilespmem:s16+$0x70] =	vst v10  }
0x12f: {  	[tilespmem:s16+$0xFFFFFC10] =	vst v4;
	v4 =	vmul.f32 $2.771281240e+01, v5;
	v5 =	vld [tilespmem:s16+$0x0]  }
0x130: {  	[tilespmem:s16+$0xFFFFFC20] =	vst v7;
	v6 =	vmul.f32 $2.771281240e+01, v6;
	v7 =	vld [tilespmem:s16+$0x10]  }
0x131: {  	[tilespmem:s16+$0xFFFFFC30] =	vst v4;
	v4 =	vmul.f32 $2.771281240e+01, v3;
	v10 =	vld [tilespmem:s16+$0x20]  }
.Ltmp2:
0x132: {  	[tilespmem:s16+$0xFFFFFC40] =	vst v6;
	v6 =	vmul.f32 $2.771281240e+01, v8;
	v3 =	vld [tilespmem:s16+$0x30];
	(pc) =	sbr.rel @p0 .LBB2_7-.Ltmp2, $4  }
0x133: {  	[tilespmem:s16+$0xFFFFFC50] =	vst v4;
	v8 =	vmul.f32 $2.771281240e+01, v9;
	v4 =	vld [tilespmem:s16+$0x40]  }
0x134: {  	[tilespmem:s16+$0xFFFFFC60] =	vst v6;
	v9 =	vmul.f32 $2.771281240e+01, v5;
	v5 =	vld [tilespmem:s16+$0x50]  }
0x135: {  	[tilespmem:s16+$0xFFFFFC70] =	vst v8;
	v8 =	vmul.f32 $2.771281240e+01, v7;
	v6 =	vld [tilespmem:s16+$0x60]  }
0x136: {  	s16 =	sadd.s32 $0x800, s16;
	v7 =	vld [tilespmem:s0+$0xFFFFFC00];
	[tilespmem:s0+$0x0] =	vst v9;
	v9 =	vmul.f32 $2.771281240e+01, v10  }
0x137: {  	[tilespmem:s0+$0x10] =	vst v8;
	v3 =	vmul.f32 $2.771281240e+01, v3;
	s8 =	sadd.s32 $0x1, s8  }
0x138: {  	[tilespmem:s0+$0x20] =	vst v9;
	v4 =	vmul.f32 $2.771281240e+01, v4;
	p0 =	sne.s32 s8, $0x20  }
.Ltmp3:
0x139: {  	[tilespmem:s0+$0x30] =	vst v3;
	v3 =	vmul.f32 $2.771281240e+01, v5;
	(pc) =	sbr.rel @p0 .LBB2_6-.Ltmp3, $4  }
0x13a: {  	[tilespmem:s0+$0x40] =	vst v4;
	v62 =	vmul.f32 $2.771281240e+01, v6  }
0x13b: {  	v63 =	vmul.f32 $2.771281240e+01, v7;
	[tilespmem:s0+$0x50] =	vst v3  }
0x13c: {  	[tilespmem:s0+$0x60] =	vst v62  }
0x13d: {  	s31 =	sadd.s32 $0x1, s31;
	[tilespmem:s0+$0xFFFFFC00] =	vst v63  }
0x13e: {  	s31 =	simm.s32 $0x0;
	s0 =	rddreg [dreg:$0x5]  }
0x13f: {  	[hbm4b:s0+s31] =	stream.linear.scatter [tilespmem:s2], [sflag:$0x7], $0x6000, $0x38;
	[tilespmem:$0x1E100] =	vst v63  }
0x140: {  	_ =	swait.ge [sflag:s22], $0x6000  }
0x141: {  	[sflag:s22] =	ssyncset.done $0x0  }
0x142: {  	[sflag:s22] =	ssyncadd.s32 $0xFFFFA000  }
0x143: {  	_ =	swait.ge [sflag:s15], $0x6000  }
0x144: {  	[sflag:s15] =	ssyncset.done $0x0  }
0x145: {  	[sflag:s15] =	ssyncadd.s32 $0xFFFFA000  }
0x146: {  	v3 =	vld [tilespmem:$0xA0];
	_ =	sdelay $0x4  }
0x147: {  	v4 =	vshrl.u32 v3, $0x3  }
0x148: {  	v4 =	vmul.u32 $0x30, v4  }
0x149: {  	v3 =	vand.u32 $0x7, v3  }
0x14a: {  	v3 =	vor.u32 v3, v4  }
0x14b: {  	v4 =	vperm.xlane v3, v0;
	_ =	sdelay $0x1  }
0x14c: {  	v4 =	vadd.s32 v1, v4;
	_ =	sdelay $0x3  }
0x14d: {  	v3 =	vperm.xlane v3, v2  }
0x14e: {  	[tilespmem:s19], [sflag:$0x1] =	stream.indirect_vreg.gather [hbm4b:s1+s31], $0x80, v4, vm0, $0xb8;
	[tilespmem:$0x1E100] =	vst v63  }
0x14f: {  	s9 =	simm.s32 $0x900;
	v3 =	vadd.s32 v1, v3  }
0x150: {  	[tilespmem:s9], [sflag:$0x1] =	stream.indirect_vreg.gather [hbm4b:s6+s31], $0x80, v4, vm0, $0xb8;
	[tilespmem:$0x1E100] =	vst v63  }
0x151: {  	s16 =	simm.s32 $0x1100  }
0x152: {  	[tilespmem:s16], [sflag:$0x1] =	stream.indirect_vreg.gather [hbm4b:s7+s31], $0x80, v4, vm0, $0xb8;
	[tilespmem:$0x1E100] =	vst v63  }
0x153: {  	s8 =	simm.s32 $0x1900  }
0x154: {  	[tilespmem:s8], [sflag:$0x1] =	stream.indirect_vreg.gather [hbm4b:s1+s31], $0x80, v3, vm0, $0xb8;
	[tilespmem:$0x1E100] =	vst v63  }
0x155: {  	s9 =	simm.s32 $0x2100  }
0x156: {  	[tilespmem:s9], [sflag:$0x1] =	stream.indirect_vreg.gather [hbm4b:s6+s31], $0x80, v3, vm0, $0xb8;
	[tilespmem:$0x1E100] =	vst v63  }
0x157: {  	s16 =	simm.s32 $0x2900  }
0x158: {  	[tilespmem:s16], [sflag:$0x1] =	stream.indirect_vreg.gather [hbm4b:s7+s31], $0x80, v3, vm0, $0xb8;
	[tilespmem:$0x1E100] =	vst v63  }
0x159: {  	v3 =	vld [tilespmem:$0xB0];
	_ =	sdelay $0x4  }
0x15a: {  	v63 =	vshrl.u32 v3, $0x3  }
0x15b: {  	v4 =	vmul.u32 $0x30, v63  }
0x15c: {  	v3 =	vand.u32 $0x7, v3  }
0x15d: {  	v3 =	vor.u32 v3, v4  }
0x15e: {  	v4 =	vperm.xlane v3, v0;
	_ =	sdelay $0x1  }
0x15f: {  	v4 =	vadd.s32 v1, v4;
	_ =	sdelay $0x3  }
0x160: {  	s8 =	simm.s32 $0x3100;
	v3 =	vperm.xlane v3, v2  }
0x161: {  	[tilespmem:s8], [sflag:$0x1] =	stream.indirect_vreg.gather [hbm4b:s1+s31], $0x80, v4, vm0, $0xb8;
	[tilespmem:$0x1E100] =	vst v63  }
0x162: {  	s9 =	simm.s32 $0x3900;
	v3 =	vadd.s32 v1, v3  }
0x163: {  	[tilespmem:s9], [sflag:$0x1] =	stream.indirect_vreg.gather [hbm4b:s6+s31], $0x80, v4, vm0, $0xb8;
	[tilespmem:$0x1E100] =	vst v63  }
0x164: {  	s16 =	simm.s32 $0x4100  }
0x165: {  	[tilespmem:s16], [sflag:$0x1] =	stream.indirect_vreg.gather [hbm4b:s7+s31], $0x80, v4, vm0, $0xb8;
	[tilespmem:$0x1E100] =	vst v63  }
0x166: {  	s8 =	simm.s32 $0x4900  }
0x167: {  	[tilespmem:s8], [sflag:$0x1] =	stream.indirect_vreg.gather [hbm4b:s1+s31], $0x80, v3, vm0, $0xb8;
	[tilespmem:$0x1E100] =	vst v63  }
0x168: {  	s9 =	simm.s32 $0x5100  }
0x169: {  	[tilespmem:s9], [sflag:$0x1] =	stream.indirect_vreg.gather [hbm4b:s6+s31], $0x80, v3, vm0, $0xb8;
	[tilespmem:$0x1E100] =	vst v63  }
0x16a: {  	s16 =	simm.s32 $0x5900;
	s8 =	simm.s32 $0x0  }
0x16b: {  	[tilespmem:s16], [sflag:$0x1] =	stream.indirect_vreg.gather [hbm4b:s7+s31], $0x80, v3, vm0, $0xb8;
	[tilespmem:$0x1E100] =	vst v63  }
.LBB2_10:
0x16c: {  	s0 =	sshrl.u32 s8, $0x3  }
0x16d: {  	s9 =	sand.u32 $0x7, s31;
	s0 =	smul.u32 $0x6000, s0  }
0x16e: {  	s9 =	sshll.u32 s9, $0x9  }
0x16f: {  	s0 =	sor.u32 s9, s0  }
0x170: {  	s0 =	sshra.s32 s0, $0x2  }
0x171: {  	s0 =	sadd.s32 $0xC500, s0  }
0x172: {  	v3 =	vld [tilespmem:s0+$0x70]  }
0x173: {  	v4 =	vld [tilespmem:s0+$0xFFFFFC10]  }
0x174: {  	v5 =	vld [tilespmem:s0+$0xFFFFFC20]  }
0x175: {  	v6 =	vld [tilespmem:s0+$0xFFFFFC30]  }
0x176: {  	v7 =	vld [tilespmem:s0+$0xFFFFFC40]  }
0x177: {  	v8 =	vld [tilespmem:s0+$0xFFFFFC50];
	v3 =	vmul.f32 $2.771281240e+01, v3  }
0x178: {  	v9 =	vld [tilespmem:s0+$0xFFFFFC60];
	v4 =	vmul.f32 $2.771281240e+01, v4  }
0x179: {  	v10 =	vld [tilespmem:s0+$0xFFFFFC70];
	v5 =	vmul.f32 $2.771281240e+01, v5;
	[tilespmem:s0+$0x70] =	vst v3  }
0x17a: {  	[tilespmem:s0+$0xFFFFFC10] =	vst v4;
	v3 =	vmul.f32 $2.771281240e+01, v6;
	v6 =	vld [tilespmem:s0+$0x0]  }
0x17b: {  	[tilespmem:s0+$0xFFFFFC20] =	vst v5;
	v4 =	vmul.f32 $2.771281240e+01, v7;
	v7 =	vld [tilespmem:s0+$0x10]  }
0x17c: {  	v11 =	vld [tilespmem:s0+$0x20];
	v5 =	vmul.f32 $2.771281240e+01, v8;
	[tilespmem:s0+$0xFFFFFC30] =	vst v3  }
0x17d: {  	v8 =	vmul.f32 $2.771281240e+01, v9;
	[tilespmem:s0+$0xFFFFFC40] =	vst v4;
	v3 =	vld [tilespmem:s0+$0x30]  }
0x17e: {  	v9 =	vmul.f32 $2.771281240e+01, v10;
	[tilespmem:s0+$0xFFFFFC50] =	vst v5;
	v4 =	vld [tilespmem:s0+$0x40]  }
0x17f: {  	[tilespmem:s0+$0xFFFFFC60] =	vst v8;
	v5 =	vld [tilespmem:s0+$0x50];
	v10 =	vmul.f32 $2.771281240e+01, v6  }
0x180: {  	[tilespmem:s0+$0xFFFFFC70] =	vst v9;
	v6 =	vld [tilespmem:s0+$0x60];
	v8 =	vmul.f32 $2.771281240e+01, v7  }
0x181: {  	s9 =	simm.s32 $0x0;
	s16 =	sadd.s32 $0x800, s0;
	v9 =	vmul.f32 $2.771281240e+01, v11;
	v7 =	vld [tilespmem:s0+$0xFFFFFC00];
	[tilespmem:s0+$0x0] =	vst v10  }
.LBB2_11:
0x182: {  	v10 =	vld [tilespmem:s16+$0x70];
	s9 =	sadd.s32 $0x10, s9;
	[tilespmem:s0+$0x10] =	vst v8;
	v3 =	vmul.f32 $2.771281240e+01, v3  }
0x183: {  	v8 =	vld [tilespmem:s16+$0xFFFFFC10];
	p0 =	slt.u32 s9, $0x20;
	[tilespmem:s0+$0x20] =	vst v9;
	v4 =	vmul.f32 $2.771281240e+01, v4  }
0x184: {  	v9 =	vld [tilespmem:s16+$0xFFFFFC20];
	[tilespmem:s0+$0x30] =	vst v3;
	v3 =	vmul.f32 $2.771281240e+01, v5  }
0x185: {  	v5 =	vld [tilespmem:s16+$0xFFFFFC30];
	[tilespmem:s0+$0x40] =	vst v4;
	v4 =	vmul.f32 $2.771281240e+01, v6  }
0x186: {  	v6 =	vld [tilespmem:s16+$0xFFFFFC40];
	v7 =	vmul.f32 $2.771281240e+01, v7;
	[tilespmem:s0+$0x50] =	vst v3  }
0x187: {  	v3 =	vld [tilespmem:s16+$0xFFFFFC50];
	v10 =	vmul.f32 $2.771281240e+01, v10;
	[tilespmem:s0+$0x60] =	vst v4  }
0x188: {  	v4 =	vmul.f32 $2.771281240e+01, v8;
	v8 =	vld [tilespmem:s16+$0xFFFFFC60];
	[tilespmem:s0+$0xFFFFFC00] =	vst v7;
	s0 =	smov.u32 s16  }
0x189: {  	v7 =	vmul.f32 $2.771281240e+01, v9;
	v9 =	vld [tilespmem:s16+$0xFFFFFC70];
	[tilespmem:s16+$0x70] =	vst v10  }
0x18a: {  	[tilespmem:s16+$0xFFFFFC10] =	vst v4;
	v4 =	vmul.f32 $2.771281240e+01, v5;
	v5 =	vld [tilespmem:s16+$0x0]  }
0x18b: {  	[tilespmem:s16+$0xFFFFFC20] =	vst v7;
	v6 =	vmul.f32 $2.771281240e+01, v6;
	v7 =	vld [tilespmem:s16+$0x10]  }
0x18c: {  	[tilespmem:s16+$0xFFFFFC30] =	vst v4;
	v4 =	vmul.f32 $2.771281240e+01, v3;
	v10 =	vld [tilespmem:s16+$0x20]  }
.Ltmp4:
0x18d: {  	[tilespmem:s16+$0xFFFFFC40] =	vst v6;
	v6 =	vmul.f32 $2.771281240e+01, v8;
	v3 =	vld [tilespmem:s16+$0x30];
	(pc) =	sbr.rel @p0 .LBB2_11-.Ltmp4, $4  }
0x18e: {  	[tilespmem:s16+$0xFFFFFC50] =	vst v4;
	v8 =	vmul.f32 $2.771281240e+01, v9;
	v4 =	vld [tilespmem:s16+$0x40]  }
0x18f: {  	[tilespmem:s16+$0xFFFFFC60] =	vst v6;
	v9 =	vmul.f32 $2.771281240e+01, v5;
	v5 =	vld [tilespmem:s16+$0x50]  }
0x190: {  	[tilespmem:s16+$0xFFFFFC70] =	vst v8;
	v8 =	vmul.f32 $2.771281240e+01, v7;
	v6 =	vld [tilespmem:s16+$0x60]  }
0x191: {  	s16 =	sadd.s32 $0x800, s16;
	v7 =	vld [tilespmem:s0+$0xFFFFFC00];
	[tilespmem:s0+$0x0] =	vst v9;
	v9 =	vmul.f32 $2.771281240e+01, v10  }
0x192: {  	[tilespmem:s0+$0x10] =	vst v8;
	v3 =	vmul.f32 $2.771281240e+01, v3;
	s8 =	sadd.s32 $0x1, s8  }
0x193: {  	[tilespmem:s0+$0x20] =	vst v9;
	v4 =	vmul.f32 $2.771281240e+01, v4;
	p0 =	sne.s32 s8, $0x20  }
.Ltmp5:
0x194: {  	[tilespmem:s0+$0x30] =	vst v3;
	v3 =	vmul.f32 $2.771281240e+01, v5;
	(pc) =	sbr.rel @p0 .LBB2_10-.Ltmp5, $4  }
0x195: {  	[tilespmem:s0+$0x40] =	vst v4;
	v62 =	vmul.f32 $2.771281240e+01, v6  }
0x196: {  	v63 =	vmul.f32 $2.771281240e+01, v7;
	[tilespmem:s0+$0x50] =	vst v3  }
0x197: {  	[tilespmem:s0+$0x60] =	vst v62  }
0x198: {  	s31 =	sadd.s32 $0x1, s31;
	[tilespmem:s0+$0xFFFFFC00] =	vst v63  }
0x199: {  	s31 =	simm.s32 $0x0;
	s0 =	rddreg [dreg:$0x6]  }
0x19a: {  	[hbm4b:s0+s31] =	stream.linear.scatter [tilespmem:s4], [sflag:$0x8], $0x6000, $0x38;
	[tilespmem:$0x1E100] =	vst v63  }
0x19b: {  	_ =	swait.ge [sflag:s23], $0x6000  }
0x19c: {  	[sflag:s23] =	ssyncset.done $0x0  }
0x19d: {  	[sflag:s23] =	ssyncadd.s32 $0xFFFFA000  }
0x19e: {  	_ =	swait.ge [sflag:s24], $0x6000  }
0x19f: {  	[sflag:s24] =	ssyncset.done $0x0  }
0x1a0: {  	[sflag:s24] =	ssyncadd.s32 $0xFFFFA000  }
0x1a1: {  	v3 =	vld [tilespmem:$0xC0];
	_ =	sdelay $0x4  }
0x1a2: {  	v4 =	vshrl.u32 v3, $0x3  }
0x1a3: {  	v4 =	vmul.u32 $0x30, v4  }
0x1a4: {  	v3 =	vand.u32 $0x7, v3  }
0x1a5: {  	v3 =	vor.u32 v3, v4  }
0x1a6: {  	v4 =	vperm.xlane v3, v0;
	_ =	sdelay $0x1  }
0x1a7: {  	v4 =	vadd.s32 v1, v4;
	_ =	sdelay $0x3  }
0x1a8: {  	v3 =	vperm.xlane v3, v2  }
0x1a9: {  	[tilespmem:s2], [sflag:$0x2] =	stream.indirect_vreg.gather [hbm4b:s1+s31], $0x80, v4, vm0, $0xb8;
	[tilespmem:$0x1E100] =	vst v63  }
0x1aa: {  	s9 =	simm.s32 $0x6900;
	v3 =	vadd.s32 v1, v3  }
0x1ab: {  	[tilespmem:s9], [sflag:$0x2] =	stream.indirect_vreg.gather [hbm4b:s6+s31], $0x80, v4, vm0, $0xb8;
	[tilespmem:$0x1E100] =	vst v63  }
0x1ac: {  	s16 =	simm.s32 $0x7100  }
0x1ad: {  	[tilespmem:s16], [sflag:$0x2] =	stream.indirect_vreg.gather [hbm4b:s7+s31], $0x80, v4, vm0, $0xb8;
	[tilespmem:$0x1E100] =	vst v63  }
0x1ae: {  	s8 =	simm.s32 $0x7900  }
0x1af: {  	[tilespmem:s8], [sflag:$0x2] =	stream.indirect_vreg.gather [hbm4b:s1+s31], $0x80, v3, vm0, $0xb8;
	[tilespmem:$0x1E100] =	vst v63  }
0x1b0: {  	s9 =	simm.s32 $0x8100  }
0x1b1: {  	[tilespmem:s9], [sflag:$0x2] =	stream.indirect_vreg.gather [hbm4b:s6+s31], $0x80, v3, vm0, $0xb8;
	[tilespmem:$0x1E100] =	vst v63  }
0x1b2: {  	s16 =	simm.s32 $0x8900  }
0x1b3: {  	[tilespmem:s16], [sflag:$0x2] =	stream.indirect_vreg.gather [hbm4b:s7+s31], $0x80, v3, vm0, $0xb8;
	[tilespmem:$0x1E100] =	vst v63  }
0x1b4: {  	v3 =	vld [tilespmem:$0xD0];
	_ =	sdelay $0x4  }
0x1b5: {  	v63 =	vshrl.u32 v3, $0x3  }
0x1b6: {  	v4 =	vmul.u32 $0x30, v63  }
0x1b7: {  	v3 =	vand.u32 $0x7, v3  }
0x1b8: {  	v3 =	vor.u32 v3, v4  }
0x1b9: {  	v4 =	vperm.xlane v3, v0;
	_ =	sdelay $0x1  }
0x1ba: {  	v4 =	vadd.s32 v1, v4;
	_ =	sdelay $0x3  }
0x1bb: {  	s8 =	simm.s32 $0x9100;
	v3 =	vperm.xlane v3, v2  }
0x1bc: {  	[tilespmem:s8], [sflag:$0x2] =	stream.indirect_vreg.gather [hbm4b:s1+s31], $0x80, v4, vm0, $0xb8;
	[tilespmem:$0x1E100] =	vst v63  }
0x1bd: {  	s9 =	simm.s32 $0x9900;
	v3 =	vadd.s32 v1, v3  }
0x1be: {  	[tilespmem:s9], [sflag:$0x2] =	stream.indirect_vreg.gather [hbm4b:s6+s31], $0x80, v4, vm0, $0xb8;
	[tilespmem:$0x1E100] =	vst v63  }
0x1bf: {  	s16 =	simm.s32 $0xA100  }
0x1c0: {  	[tilespmem:s16], [sflag:$0x2] =	stream.indirect_vreg.gather [hbm4b:s7+s31], $0x80, v4, vm0, $0xb8;
	[tilespmem:$0x1E100] =	vst v63  }
0x1c1: {  	s8 =	simm.s32 $0xA900  }
0x1c2: {  	[tilespmem:s8], [sflag:$0x2] =	stream.indirect_vreg.gather [hbm4b:s1+s31], $0x80, v3, vm0, $0xb8;
	[tilespmem:$0x1E100] =	vst v63  }
0x1c3: {  	s9 =	simm.s32 $0xB100  }
0x1c4: {  	[tilespmem:s9], [sflag:$0x2] =	stream.indirect_vreg.gather [hbm4b:s6+s31], $0x80, v3, vm0, $0xb8;
	[tilespmem:$0x1E100] =	vst v63  }
0x1c5: {  	s16 =	simm.s32 $0xB900;
	s8 =	simm.s32 $0x0  }
0x1c6: {  	[tilespmem:s16], [sflag:$0x2] =	stream.indirect_vreg.gather [hbm4b:s7+s31], $0x80, v3, vm0, $0xb8;
	[tilespmem:$0x1E100] =	vst v63  }
.LBB2_14:
0x1c7: {  	s0 =	sshrl.u32 s8, $0x3  }
0x1c8: {  	s9 =	sand.u32 $0x7, s31;
	s0 =	smul.u32 $0x6000, s0  }
0x1c9: {  	s9 =	sshll.u32 s9, $0x9  }
0x1ca: {  	s0 =	sor.u32 s9, s0  }
0x1cb: {  	s0 =	sshra.s32 s0, $0x2  }
0x1cc: {  	s0 =	sadd.s32 $0x12500, s0  }
0x1cd: {  	v3 =	vld [tilespmem:s0+$0x70]  }
0x1ce: {  	v4 =	vld [tilespmem:s0+$0xFFFFFC10]  }
0x1cf: {  	v5 =	vld [tilespmem:s0+$0xFFFFFC20]  }
0x1d0: {  	v6 =	vld [tilespmem:s0+$0xFFFFFC30]  }
0x1d1: {  	v7 =	vld [tilespmem:s0+$0xFFFFFC40]  }
0x1d2: {  	v8 =	vld [tilespmem:s0+$0xFFFFFC50];
	v3 =	vmul.f32 $2.771281240e+01, v3  }
0x1d3: {  	v9 =	vld [tilespmem:s0+$0xFFFFFC60];
	v4 =	vmul.f32 $2.771281240e+01, v4  }
0x1d4: {  	v10 =	vld [tilespmem:s0+$0xFFFFFC70];
	v5 =	vmul.f32 $2.771281240e+01, v5;
	[tilespmem:s0+$0x70] =	vst v3  }
0x1d5: {  	[tilespmem:s0+$0xFFFFFC10] =	vst v4;
	v3 =	vmul.f32 $2.771281240e+01, v6;
	v6 =	vld [tilespmem:s0+$0x0]  }
0x1d6: {  	[tilespmem:s0+$0xFFFFFC20] =	vst v5;
	v4 =	vmul.f32 $2.771281240e+01, v7;
	v7 =	vld [tilespmem:s0+$0x10]  }
0x1d7: {  	v11 =	vld [tilespmem:s0+$0x20];
	v5 =	vmul.f32 $2.771281240e+01, v8;
	[tilespmem:s0+$0xFFFFFC30] =	vst v3  }
0x1d8: {  	v8 =	vmul.f32 $2.771281240e+01, v9;
	[tilespmem:s0+$0xFFFFFC40] =	vst v4;
	v3 =	vld [tilespmem:s0+$0x30]  }
0x1d9: {  	v9 =	vmul.f32 $2.771281240e+01, v10;
	[tilespmem:s0+$0xFFFFFC50] =	vst v5;
	v4 =	vld [tilespmem:s0+$0x40]  }
0x1da: {  	[tilespmem:s0+$0xFFFFFC60] =	vst v8;
	v5 =	vld [tilespmem:s0+$0x50];
	v10 =	vmul.f32 $2.771281240e+01, v6  }
0x1db: {  	[tilespmem:s0+$0xFFFFFC70] =	vst v9;
	v6 =	vld [tilespmem:s0+$0x60];
	v8 =	vmul.f32 $2.771281240e+01, v7  }
0x1dc: {  	s9 =	simm.s32 $0x0;
	s16 =	sadd.s32 $0x800, s0;
	v9 =	vmul.f32 $2.771281240e+01, v11;
	v7 =	vld [tilespmem:s0+$0xFFFFFC00];
	[tilespmem:s0+$0x0] =	vst v10  }
.LBB2_15:
0x1dd: {  	v10 =	vld [tilespmem:s16+$0x70];
	s9 =	sadd.s32 $0x10, s9;
	[tilespmem:s0+$0x10] =	vst v8;
	v3 =	vmul.f32 $2.771281240e+01, v3  }
0x1de: {  	v8 =	vld [tilespmem:s16+$0xFFFFFC10];
	p0 =	slt.u32 s9, $0x20;
	[tilespmem:s0+$0x20] =	vst v9;
	v4 =	vmul.f32 $2.771281240e+01, v4  }
0x1df: {  	v9 =	vld [tilespmem:s16+$0xFFFFFC20];
	[tilespmem:s0+$0x30] =	vst v3;
	v3 =	vmul.f32 $2.771281240e+01, v5  }
0x1e0: {  	v5 =	vld [tilespmem:s16+$0xFFFFFC30];
	[tilespmem:s0+$0x40] =	vst v4;
	v4 =	vmul.f32 $2.771281240e+01, v6  }
0x1e1: {  	v6 =	vld [tilespmem:s16+$0xFFFFFC40];
	v7 =	vmul.f32 $2.771281240e+01, v7;
	[tilespmem:s0+$0x50] =	vst v3  }
0x1e2: {  	v3 =	vld [tilespmem:s16+$0xFFFFFC50];
	v10 =	vmul.f32 $2.771281240e+01, v10;
	[tilespmem:s0+$0x60] =	vst v4  }
0x1e3: {  	v4 =	vmul.f32 $2.771281240e+01, v8;
	v8 =	vld [tilespmem:s16+$0xFFFFFC60];
	[tilespmem:s0+$0xFFFFFC00] =	vst v7;
	s0 =	smov.u32 s16  }
0x1e4: {  	v7 =	vmul.f32 $2.771281240e+01, v9;
	v9 =	vld [tilespmem:s16+$0xFFFFFC70];
	[tilespmem:s16+$0x70] =	vst v10  }
0x1e5: {  	[tilespmem:s16+$0xFFFFFC10] =	vst v4;
	v4 =	vmul.f32 $2.771281240e+01, v5;
	v5 =	vld [tilespmem:s16+$0x0]  }
0x1e6: {  	[tilespmem:s16+$0xFFFFFC20] =	vst v7;
	v6 =	vmul.f32 $2.771281240e+01, v6;
	v7 =	vld [tilespmem:s16+$0x10]  }
0x1e7: {  	[tilespmem:s16+$0xFFFFFC30] =	vst v4;
	v4 =	vmul.f32 $2.771281240e+01, v3;
	v10 =	vld [tilespmem:s16+$0x20]  }
.Ltmp6:
0x1e8: {  	[tilespmem:s16+$0xFFFFFC40] =	vst v6;
	v6 =	vmul.f32 $2.771281240e+01, v8;
	v3 =	vld [tilespmem:s16+$0x30];
	(pc) =	sbr.rel @p0 .LBB2_15-.Ltmp6, $4  }
0x1e9: {  	[tilespmem:s16+$0xFFFFFC50] =	vst v4;
	v8 =	vmul.f32 $2.771281240e+01, v9;
	v4 =	vld [tilespmem:s16+$0x40]  }
0x1ea: {  	[tilespmem:s16+$0xFFFFFC60] =	vst v6;
	v9 =	vmul.f32 $2.771281240e+01, v5;
	v5 =	vld [tilespmem:s16+$0x50]  }
0x1eb: {  	[tilespmem:s16+$0xFFFFFC70] =	vst v8;
	v8 =	vmul.f32 $2.771281240e+01, v7;
	v6 =	vld [tilespmem:s16+$0x60]  }
0x1ec: {  	s16 =	sadd.s32 $0x800, s16;
	v7 =	vld [tilespmem:s0+$0xFFFFFC00];
	[tilespmem:s0+$0x0] =	vst v9;
	v9 =	vmul.f32 $2.771281240e+01, v10  }
0x1ed: {  	[tilespmem:s0+$0x10] =	vst v8;
	v3 =	vmul.f32 $2.771281240e+01, v3;
	s8 =	sadd.s32 $0x1, s8  }
0x1ee: {  	[tilespmem:s0+$0x20] =	vst v9;
	v4 =	vmul.f32 $2.771281240e+01, v4;
	p0 =	sne.s32 s8, $0x20  }
.Ltmp7:
0x1ef: {  	[tilespmem:s0+$0x30] =	vst v3;
	v3 =	vmul.f32 $2.771281240e+01, v5;
	(pc) =	sbr.rel @p0 .LBB2_14-.Ltmp7, $4  }
0x1f0: {  	[tilespmem:s0+$0x40] =	vst v4;
	v62 =	vmul.f32 $2.771281240e+01, v6  }
0x1f1: {  	v63 =	vmul.f32 $2.771281240e+01, v7;
	[tilespmem:s0+$0x50] =	vst v3  }
0x1f2: {  	[tilespmem:s0+$0x60] =	vst v62  }
0x1f3: {  	s31 =	sadd.s32 $0x1, s31;
	[tilespmem:s0+$0xFFFFFC00] =	vst v63  }
0x1f4: {  	s31 =	simm.s32 $0x0;
	s0 =	rddreg [dreg:$0x7]  }
0x1f5: {  	[hbm4b:s0+s31] =	stream.linear.scatter [tilespmem:s13], [sflag:$0x9], $0x6000, $0x38;
	[tilespmem:$0x1E100] =	vst v63  }
0x1f6: {  	_ =	swait.ge [sflag:s25], $0x6000  }
0x1f7: {  	[sflag:s25] =	ssyncset.done $0x0  }
0x1f8: {  	[sflag:s25] =	ssyncadd.s32 $0xFFFFA000  }
0x1f9: {  	_ =	swait.ge [sflag:s26], $0x6000  }
0x1fa: {  	[sflag:s26] =	ssyncset.done $0x0  }
0x1fb: {  	[sflag:s26] =	ssyncadd.s32 $0xFFFFA000  }
0x1fc: {  	v3 =	vld [tilespmem:$0xE0];
	_ =	sdelay $0x4  }
0x1fd: {  	v4 =	vshrl.u32 v3, $0x3  }
0x1fe: {  	v4 =	vmul.u32 $0x30, v4  }
0x1ff: {  	v3 =	vand.u32 $0x7, v3  }
0x200: {  	v3 =	vor.u32 v3, v4  }
0x201: {  	v4 =	vperm.xlane v3, v0;
	_ =	sdelay $0x1  }
0x202: {  	v4 =	vadd.s32 v1, v4;
	_ =	sdelay $0x3  }
0x203: {  	v3 =	vperm.xlane v3, v2  }
0x204: {  	[tilespmem:s4], [sflag:$0x3] =	stream.indirect_vreg.gather [hbm4b:s1+s31], $0x80, v4, vm0, $0xb8;
	[tilespmem:$0x1E100] =	vst v63  }
0x205: {  	s16 =	simm.s32 $0xC900;
	v3 =	vadd.s32 v1, v3  }
0x206: {  	[tilespmem:s16], [sflag:$0x3] =	stream.indirect_vreg.gather [hbm4b:s6+s31], $0x80, v4, vm0, $0xb8;
	[tilespmem:$0x1E100] =	vst v63  }
0x207: {  	s8 =	simm.s32 $0xD100  }
0x208: {  	[tilespmem:s8], [sflag:$0x3] =	stream.indirect_vreg.gather [hbm4b:s7+s31], $0x80, v4, vm0, $0xb8;
	[tilespmem:$0x1E100] =	vst v63  }
0x209: {  	s9 =	simm.s32 $0xD900  }
0x20a: {  	[tilespmem:s9], [sflag:$0x3] =	stream.indirect_vreg.gather [hbm4b:s1+s31], $0x80, v3, vm0, $0xb8;
	[tilespmem:$0x1E100] =	vst v63  }
0x20b: {  	s16 =	simm.s32 $0xE100  }
0x20c: {  	[tilespmem:s16], [sflag:$0x3] =	stream.indirect_vreg.gather [hbm4b:s6+s31], $0x80, v3, vm0, $0xb8;
	[tilespmem:$0x1E100] =	vst v63  }
0x20d: {  	s8 =	simm.s32 $0xE900  }
0x20e: {  	[tilespmem:s8], [sflag:$0x3] =	stream.indirect_vreg.gather [hbm4b:s7+s31], $0x80, v3, vm0, $0xb8;
	[tilespmem:$0x1E100] =	vst v63  }
0x20f: {  	v3 =	vld [tilespmem:$0xF0];
	_ =	sdelay $0x4  }
0x210: {  	v63 =	vshrl.u32 v3, $0x3  }
0x211: {  	v4 =	vmul.u32 $0x30, v63  }
0x212: {  	v3 =	vand.u32 $0x7, v3  }
0x213: {  	v3 =	vor.u32 v3, v4  }
0x214: {  	v4 =	vperm.xlane v3, v0;
	_ =	sdelay $0x1  }
0x215: {  	v4 =	vadd.s32 v1, v4;
	_ =	sdelay $0x3  }
0x216: {  	s9 =	simm.s32 $0xF100;
	v3 =	vperm.xlane v3, v2  }
0x217: {  	[tilespmem:s9], [sflag:$0x3] =	stream.indirect_vreg.gather [hbm4b:s1+s31], $0x80, v4, vm0, $0xb8;
	[tilespmem:$0x1E100] =	vst v63  }
0x218: {  	s16 =	simm.s32 $0xF900;
	v3 =	vadd.s32 v1, v3  }
0x219: {  	[tilespmem:s16], [sflag:$0x3] =	stream.indirect_vreg.gather [hbm4b:s6+s31], $0x80, v4, vm0, $0xb8;
	[tilespmem:$0x1E100] =	vst v63  }
0x21a: {  	_ = 	snop  }
0x21b: {  	[tilespmem:s10], [sflag:$0x3] =	stream.indirect_vreg.gather [hbm4b:s7+s31], $0x80, v4, vm0, $0xb8;
	[tilespmem:$0x1E100] =	vst v63  }
0x21c: {  	_ = 	snop  }
0x21d: {  	[tilespmem:s17], [sflag:$0x3] =	stream.indirect_vreg.gather [hbm4b:s1+s31], $0x80, v3, vm0, $0xb8;
	[tilespmem:$0x1E100] =	vst v63  }
0x21e: {  	_ = 	snop  }
0x21f: {  	[tilespmem:s11], [sflag:$0x3] =	stream.indirect_vreg.gather [hbm4b:s6+s31], $0x80, v3, vm0, $0xb8;
	[tilespmem:$0x1E100] =	vst v63  }
0x220: {  	s8 =	simm.s32 $0x0  }
0x221: {  	[tilespmem:s12], [sflag:$0x3] =	stream.indirect_vreg.gather [hbm4b:s7+s31], $0x80, v3, vm0, $0xb8;
	[tilespmem:$0x1E100] =	vst v63  }
.LBB2_18:
0x222: {  	s0 =	sshrl.u32 s8, $0x3  }
0x223: {  	s9 =	sand.u32 $0x7, s31;
	s0 =	smul.u32 $0x6000, s0  }
0x224: {  	s9 =	sshll.u32 s9, $0x9  }
0x225: {  	s0 =	sor.u32 s9, s0  }
0x226: {  	s0 =	sshra.s32 s0, $0x2  }
0x227: {  	s0 =	sadd.s32 $0x18500, s0  }
0x228: {  	v3 =	vld [tilespmem:s0+$0x70]  }
0x229: {  	v4 =	vld [tilespmem:s0+$0xFFFFFC10]  }
0x22a: {  	v5 =	vld [tilespmem:s0+$0xFFFFFC20]  }
0x22b: {  	v6 =	vld [tilespmem:s0+$0xFFFFFC30]  }
0x22c: {  	v7 =	vld [tilespmem:s0+$0xFFFFFC40]  }
0x22d: {  	v8 =	vld [tilespmem:s0+$0xFFFFFC50];
	v3 =	vmul.f32 $2.771281240e+01, v3  }
0x22e: {  	v9 =	vld [tilespmem:s0+$0xFFFFFC60];
	v4 =	vmul.f32 $2.771281240e+01, v4  }
0x22f: {  	v10 =	vld [tilespmem:s0+$0xFFFFFC70];
	v5 =	vmul.f32 $2.771281240e+01, v5;
	[tilespmem:s0+$0x70] =	vst v3  }
0x230: {  	[tilespmem:s0+$0xFFFFFC10] =	vst v4;
	v3 =	vmul.f32 $2.771281240e+01, v6;
	v6 =	vld [tilespmem:s0+$0x0]  }
0x231: {  	[tilespmem:s0+$0xFFFFFC20] =	vst v5;
	v4 =	vmul.f32 $2.771281240e+01, v7;
	v7 =	vld [tilespmem:s0+$0x10]  }
0x232: {  	v11 =	vld [tilespmem:s0+$0x20];
	v5 =	vmul.f32 $2.771281240e+01, v8;
	[tilespmem:s0+$0xFFFFFC30] =	vst v3  }
0x233: {  	v8 =	vmul.f32 $2.771281240e+01, v9;
	[tilespmem:s0+$0xFFFFFC40] =	vst v4;
	v3 =	vld [tilespmem:s0+$0x30]  }
0x234: {  	v9 =	vmul.f32 $2.771281240e+01, v10;
	[tilespmem:s0+$0xFFFFFC50] =	vst v5;
	v4 =	vld [tilespmem:s0+$0x40]  }
0x235: {  	[tilespmem:s0+$0xFFFFFC60] =	vst v8;
	v5 =	vld [tilespmem:s0+$0x50];
	v10 =	vmul.f32 $2.771281240e+01, v6  }
0x236: {  	[tilespmem:s0+$0xFFFFFC70] =	vst v9;
	v6 =	vld [tilespmem:s0+$0x60];
	v8 =	vmul.f32 $2.771281240e+01, v7  }
0x237: {  	s9 =	simm.s32 $0x0;
	s16 =	sadd.s32 $0x800, s0;
	v9 =	vmul.f32 $2.771281240e+01, v11;
	v7 =	vld [tilespmem:s0+$0xFFFFFC00];
	[tilespmem:s0+$0x0] =	vst v10  }
.LBB2_19:
0x238: {  	v10 =	vld [tilespmem:s16+$0x70];
	s9 =	sadd.s32 $0x10, s9;
	[tilespmem:s0+$0x10] =	vst v8;
	v3 =	vmul.f32 $2.771281240e+01, v3  }
0x239: {  	v8 =	vld [tilespmem:s16+$0xFFFFFC10];
	p0 =	slt.u32 s9, $0x20;
	[tilespmem:s0+$0x20] =	vst v9;
	v4 =	vmul.f32 $2.771281240e+01, v4  }
0x23a: {  	v9 =	vld [tilespmem:s16+$0xFFFFFC20];
	[tilespmem:s0+$0x30] =	vst v3;
	v3 =	vmul.f32 $2.771281240e+01, v5  }
0x23b: {  	v5 =	vld [tilespmem:s16+$0xFFFFFC30];
	[tilespmem:s0+$0x40] =	vst v4;
	v4 =	vmul.f32 $2.771281240e+01, v6  }
0x23c: {  	v6 =	vld [tilespmem:s16+$0xFFFFFC40];
	v7 =	vmul.f32 $2.771281240e+01, v7;
	[tilespmem:s0+$0x50] =	vst v3  }
0x23d: {  	v3 =	vld [tilespmem:s16+$0xFFFFFC50];
	v10 =	vmul.f32 $2.771281240e+01, v10;
	[tilespmem:s0+$0x60] =	vst v4  }
0x23e: {  	v4 =	vmul.f32 $2.771281240e+01, v8;
	v8 =	vld [tilespmem:s16+$0xFFFFFC60];
	[tilespmem:s0+$0xFFFFFC00] =	vst v7;
	s0 =	smov.u32 s16  }
0x23f: {  	v7 =	vmul.f32 $2.771281240e+01, v9;
	v9 =	vld [tilespmem:s16+$0xFFFFFC70];
	[tilespmem:s16+$0x70] =	vst v10  }
0x240: {  	[tilespmem:s16+$0xFFFFFC10] =	vst v4;
	v4 =	vmul.f32 $2.771281240e+01, v5;
	v5 =	vld [tilespmem:s16+$0x0]  }
0x241: {  	[tilespmem:s16+$0xFFFFFC20] =	vst v7;
	v6 =	vmul.f32 $2.771281240e+01, v6;
	v7 =	vld [tilespmem:s16+$0x10]  }
0x242: {  	[tilespmem:s16+$0xFFFFFC30] =	vst v4;
	v4 =	vmul.f32 $2.771281240e+01, v3;
	v10 =	vld [tilespmem:s16+$0x20]  }
.Ltmp8:
0x243: {  	[tilespmem:s16+$0xFFFFFC40] =	vst v6;
	v6 =	vmul.f32 $2.771281240e+01, v8;
	v3 =	vld [tilespmem:s16+$0x30];
	(pc) =	sbr.rel @p0 .LBB2_19-.Ltmp8, $4  }
0x244: {  	[tilespmem:s16+$0xFFFFFC50] =	vst v4;
	v8 =	vmul.f32 $2.771281240e+01, v9;
	v4 =	vld [tilespmem:s16+$0x40]  }
0x245: {  	[tilespmem:s16+$0xFFFFFC60] =	vst v6;
	v9 =	vmul.f32 $2.771281240e+01, v5;
	v5 =	vld [tilespmem:s16+$0x50]  }
0x246: {  	[tilespmem:s16+$0xFFFFFC70] =	vst v8;
	v8 =	vmul.f32 $2.771281240e+01, v7;
	v6 =	vld [tilespmem:s16+$0x60]  }
0x247: {  	s16 =	sadd.s32 $0x800, s16;
	v7 =	vld [tilespmem:s0+$0xFFFFFC00];
	[tilespmem:s0+$0x0] =	vst v9;
	v9 =	vmul.f32 $2.771281240e+01, v10  }
0x248: {  	[tilespmem:s0+$0x10] =	vst v8;
	v3 =	vmul.f32 $2.771281240e+01, v3;
	s8 =	sadd.s32 $0x1, s8  }
0x249: {  	[tilespmem:s0+$0x20] =	vst v9;
	v4 =	vmul.f32 $2.771281240e+01, v4;
	p0 =	sne.s32 s8, $0x20  }
.Ltmp9:
0x24a: {  	[tilespmem:s0+$0x30] =	vst v3;
	v3 =	vmul.f32 $2.771281240e+01, v5;
	(pc) =	sbr.rel @p0 .LBB2_18-.Ltmp9, $4  }
0x24b: {  	[tilespmem:s0+$0x40] =	vst v4;
	v62 =	vmul.f32 $2.771281240e+01, v6  }
0x24c: {  	v63 =	vmul.f32 $2.771281240e+01, v7;
	[tilespmem:s0+$0x50] =	vst v3  }
0x24d: {  	[tilespmem:s0+$0x60] =	vst v62  }
0x24e: {  	s31 =	sadd.s32 $0x1, s31;
	[tilespmem:s0+$0xFFFFFC00] =	vst v63  }
0x24f: {  	s31 =	simm.s32 $0x0;
	s0 =	rddreg [dreg:$0x8]  }
0x250: {  	[hbm4b:s0+s31] =	stream.linear.scatter [tilespmem:s14], [sflag:$0xA], $0x6000, $0x38;
	[tilespmem:$0x1E100] =	vst v63  }
0x251: {  	_ =	swait.ge [sflag:s20], $0x6000  }
0x252: {  	[sflag:s20] =	ssyncset.done $0x0  }
0x253: {  	s8 =	simm.s32 $0x0;
	[sflag:s20] =	ssyncadd.s32 $0xFFFFA000  }
.LBB2_22:
0x254: {  	s0 =	sshrl.u32 s8, $0x3  }
0x255: {  	s9 =	sand.u32 $0x7, s31;
	s0 =	smul.u32 $0x6000, s0  }
0x256: {  	s9 =	sshll.u32 s9, $0x9  }
0x257: {  	s0 =	sor.u32 s9, s0  }
0x258: {  	s0 =	sshra.s32 s0, $0x2  }
0x259: {  	s0 =	sadd.s32 $0x500, s0  }
0x25a: {  	v3 =	vld [tilespmem:s0+$0x70]  }
0x25b: {  	v4 =	vld [tilespmem:s0+$0xFFFFFC10]  }
0x25c: {  	v5 =	vld [tilespmem:s0+$0xFFFFFC20]  }
0x25d: {  	v6 =	vld [tilespmem:s0+$0xFFFFFC30]  }
0x25e: {  	v7 =	vld [tilespmem:s0+$0xFFFFFC40]  }
0x25f: {  	v8 =	vld [tilespmem:s0+$0xFFFFFC50];
	v3 =	vmul.f32 $2.771281240e+01, v3  }
0x260: {  	v9 =	vld [tilespmem:s0+$0xFFFFFC60];
	v4 =	vmul.f32 $2.771281240e+01, v4  }
0x261: {  	v10 =	vld [tilespmem:s0+$0xFFFFFC70];
	v5 =	vmul.f32 $2.771281240e+01, v5;
	[tilespmem:s0+$0x70] =	vst v3  }
0x262: {  	[tilespmem:s0+$0xFFFFFC10] =	vst v4;
	v3 =	vmul.f32 $2.771281240e+01, v6;
	v6 =	vld [tilespmem:s0+$0x0]  }
0x263: {  	[tilespmem:s0+$0xFFFFFC20] =	vst v5;
	v4 =	vmul.f32 $2.771281240e+01, v7;
	v7 =	vld [tilespmem:s0+$0x10]  }
0x264: {  	v11 =	vld [tilespmem:s0+$0x20];
	v5 =	vmul.f32 $2.771281240e+01, v8;
	[tilespmem:s0+$0xFFFFFC30] =	vst v3  }
0x265: {  	v8 =	vmul.f32 $2.771281240e+01, v9;
	[tilespmem:s0+$0xFFFFFC40] =	vst v4;
	v3 =	vld [tilespmem:s0+$0x30]  }
0x266: {  	v9 =	vmul.f32 $2.771281240e+01, v10;
	[tilespmem:s0+$0xFFFFFC50] =	vst v5;
	v4 =	vld [tilespmem:s0+$0x40]  }
0x267: {  	[tilespmem:s0+$0xFFFFFC60] =	vst v8;
	v5 =	vld [tilespmem:s0+$0x50];
	v10 =	vmul.f32 $2.771281240e+01, v6  }
0x268: {  	[tilespmem:s0+$0xFFFFFC70] =	vst v9;
	v6 =	vld [tilespmem:s0+$0x60];
	v8 =	vmul.f32 $2.771281240e+01, v7  }
0x269: {  	s9 =	simm.s32 $0x0;
	s16 =	sadd.s32 $0x800, s0;
	v9 =	vmul.f32 $2.771281240e+01, v11;
	v7 =	vld [tilespmem:s0+$0xFFFFFC00];
	[tilespmem:s0+$0x0] =	vst v10  }
.LBB2_23:
0x26a: {  	v10 =	vld [tilespmem:s16+$0x70];
	s9 =	sadd.s32 $0x10, s9;
	[tilespmem:s0+$0x10] =	vst v8;
	v3 =	vmul.f32 $2.771281240e+01, v3  }
0x26b: {  	v8 =	vld [tilespmem:s16+$0xFFFFFC10];
	p0 =	slt.u32 s9, $0x20;
	[tilespmem:s0+$0x20] =	vst v9;
	v4 =	vmul.f32 $2.771281240e+01, v4  }
0x26c: {  	v9 =	vld [tilespmem:s16+$0xFFFFFC20];
	[tilespmem:s0+$0x30] =	vst v3;
	v3 =	vmul.f32 $2.771281240e+01, v5  }
0x26d: {  	v5 =	vld [tilespmem:s16+$0xFFFFFC30];
	[tilespmem:s0+$0x40] =	vst v4;
	v4 =	vmul.f32 $2.771281240e+01, v6  }
0x26e: {  	v6 =	vld [tilespmem:s16+$0xFFFFFC40];
	v7 =	vmul.f32 $2.771281240e+01, v7;
	[tilespmem:s0+$0x50] =	vst v3  }
0x26f: {  	v3 =	vld [tilespmem:s16+$0xFFFFFC50];
	v10 =	vmul.f32 $2.771281240e+01, v10;
	[tilespmem:s0+$0x60] =	vst v4  }
0x270: {  	v4 =	vmul.f32 $2.771281240e+01, v8;
	v8 =	vld [tilespmem:s16+$0xFFFFFC60];
	[tilespmem:s0+$0xFFFFFC00] =	vst v7;
	s0 =	smov.u32 s16  }
0x271: {  	v7 =	vmul.f32 $2.771281240e+01, v9;
	v9 =	vld [tilespmem:s16+$0xFFFFFC70];
	[tilespmem:s16+$0x70] =	vst v10  }
0x272: {  	[tilespmem:s16+$0xFFFFFC10] =	vst v4;
	v4 =	vmul.f32 $2.771281240e+01, v5;
	v5 =	vld [tilespmem:s16+$0x0]  }
0x273: {  	[tilespmem:s16+$0xFFFFFC20] =	vst v7;
	v6 =	vmul.f32 $2.771281240e+01, v6;
	v7 =	vld [tilespmem:s16+$0x10]  }
0x274: {  	[tilespmem:s16+$0xFFFFFC30] =	vst v4;
	v4 =	vmul.f32 $2.771281240e+01, v3;
	v10 =	vld [tilespmem:s16+$0x20]  }
.Ltmp10:
0x275: {  	[tilespmem:s16+$0xFFFFFC40] =	vst v6;
	v6 =	vmul.f32 $2.771281240e+01, v8;
	v3 =	vld [tilespmem:s16+$0x30];
	(pc) =	sbr.rel @p0 .LBB2_23-.Ltmp10, $4  }
0x276: {  	[tilespmem:s16+$0xFFFFFC50] =	vst v4;
	v8 =	vmul.f32 $2.771281240e+01, v9;
	v4 =	vld [tilespmem:s16+$0x40]  }
0x277: {  	[tilespmem:s16+$0xFFFFFC60] =	vst v6;
	v9 =	vmul.f32 $2.771281240e+01, v5;
	v5 =	vld [tilespmem:s16+$0x50]  }
0x278: {  	[tilespmem:s16+$0xFFFFFC70] =	vst v8;
	v8 =	vmul.f32 $2.771281240e+01, v7;
	v6 =	vld [tilespmem:s16+$0x60]  }
0x279: {  	s16 =	sadd.s32 $0x800, s16;
	v7 =	vld [tilespmem:s0+$0xFFFFFC00];
	[tilespmem:s0+$0x0] =	vst v9;
	v9 =	vmul.f32 $2.771281240e+01, v10  }
0x27a: {  	[tilespmem:s0+$0x10] =	vst v8;
	v3 =	vmul.f32 $2.771281240e+01, v3;
	s8 =	sadd.s32 $0x1, s8  }
0x27b: {  	[tilespmem:s0+$0x20] =	vst v9;
	v4 =	vmul.f32 $2.771281240e+01, v4;
	p0 =	sne.s32 s8, $0x20  }
.Ltmp11:
0x27c: {  	[tilespmem:s0+$0x30] =	vst v3;
	v3 =	vmul.f32 $2.771281240e+01, v5;
	(pc) =	sbr.rel @p0 .LBB2_22-.Ltmp11, $4  }
0x27d: {  	[tilespmem:s0+$0x40] =	vst v4;
	v62 =	vmul.f32 $2.771281240e+01, v6  }
0x27e: {  	v63 =	vmul.f32 $2.771281240e+01, v7;
	[tilespmem:s0+$0x50] =	vst v3  }
0x27f: {  	[tilespmem:s0+$0x60] =	vst v62  }
0x280: {  	s31 =	sadd.s32 $0x1, s31;
	[tilespmem:s0+$0xFFFFFC00] =	vst v63  }
0x281: {  	s31 =	simm.s32 $0x0;
	s0 =	rddreg [dreg:$0x9]  }
0x282: {  	[hbm4b:s0+s31] =	stream.linear.scatter [tilespmem:s19], [sflag:$0x6], $0x6000, $0x38;
	[tilespmem:$0x1E100] =	vst v63  }
0x283: {  	_ =	swait.ge [sflag:s21], $0x6000  }
0x284: {  	[sflag:s21] =	ssyncset.done $0x0  }
0x285: {  	s8 =	simm.s32 $0x0;
	[sflag:s21] =	ssyncadd.s32 $0xFFFFA000  }
.LBB2_26:
0x286: {  	s0 =	sshrl.u32 s8, $0x3  }
0x287: {  	s9 =	sand.u32 $0x7, s31;
	s0 =	smul.u32 $0x6000, s0  }
0x288: {  	s9 =	sshll.u32 s9, $0x9  }
0x289: {  	s0 =	sor.u32 s9, s0  }
0x28a: {  	s0 =	sshra.s32 s0, $0x2  }
0x28b: {  	s0 =	sadd.s32 $0x6500, s0  }
0x28c: {  	v3 =	vld [tilespmem:s0+$0x70]  }
0x28d: {  	v4 =	vld [tilespmem:s0+$0xFFFFFC10]  }
0x28e: {  	v5 =	vld [tilespmem:s0+$0xFFFFFC20]  }
0x28f: {  	v6 =	vld [tilespmem:s0+$0xFFFFFC30]  }
0x290: {  	v7 =	vld [tilespmem:s0+$0xFFFFFC40]  }
0x291: {  	v8 =	vld [tilespmem:s0+$0xFFFFFC50];
	v3 =	vmul.f32 $2.771281240e+01, v3  }
0x292: {  	v9 =	vld [tilespmem:s0+$0xFFFFFC60];
	v4 =	vmul.f32 $2.771281240e+01, v4  }
0x293: {  	v10 =	vld [tilespmem:s0+$0xFFFFFC70];
	v5 =	vmul.f32 $2.771281240e+01, v5;
	[tilespmem:s0+$0x70] =	vst v3  }
0x294: {  	[tilespmem:s0+$0xFFFFFC10] =	vst v4;
	v3 =	vmul.f32 $2.771281240e+01, v6;
	v6 =	vld [tilespmem:s0+$0x0]  }
0x295: {  	[tilespmem:s0+$0xFFFFFC20] =	vst v5;
	v4 =	vmul.f32 $2.771281240e+01, v7;
	v7 =	vld [tilespmem:s0+$0x10]  }
0x296: {  	v11 =	vld [tilespmem:s0+$0x20];
	v5 =	vmul.f32 $2.771281240e+01, v8;
	[tilespmem:s0+$0xFFFFFC30] =	vst v3  }
0x297: {  	v8 =	vmul.f32 $2.771281240e+01, v9;
	[tilespmem:s0+$0xFFFFFC40] =	vst v4;
	v3 =	vld [tilespmem:s0+$0x30]  }
0x298: {  	v9 =	vmul.f32 $2.771281240e+01, v10;
	[tilespmem:s0+$0xFFFFFC50] =	vst v5;
	v4 =	vld [tilespmem:s0+$0x40]  }
0x299: {  	[tilespmem:s0+$0xFFFFFC60] =	vst v8;
	v5 =	vld [tilespmem:s0+$0x50];
	v10 =	vmul.f32 $2.771281240e+01, v6  }
0x29a: {  	[tilespmem:s0+$0xFFFFFC70] =	vst v9;
	v6 =	vld [tilespmem:s0+$0x60];
	v8 =	vmul.f32 $2.771281240e+01, v7  }
0x29b: {  	s9 =	simm.s32 $0x0;
	s16 =	sadd.s32 $0x800, s0;
	v9 =	vmul.f32 $2.771281240e+01, v11;
	v7 =	vld [tilespmem:s0+$0xFFFFFC00];
	[tilespmem:s0+$0x0] =	vst v10  }
.LBB2_27:
0x29c: {  	v10 =	vld [tilespmem:s16+$0x70];
	s9 =	sadd.s32 $0x10, s9;
	[tilespmem:s0+$0x10] =	vst v8;
	v3 =	vmul.f32 $2.771281240e+01, v3  }
0x29d: {  	v8 =	vld [tilespmem:s16+$0xFFFFFC10];
	p0 =	slt.u32 s9, $0x20;
	[tilespmem:s0+$0x20] =	vst v9;
	v4 =	vmul.f32 $2.771281240e+01, v4  }
0x29e: {  	v9 =	vld [tilespmem:s16+$0xFFFFFC20];
	[tilespmem:s0+$0x30] =	vst v3;
	v3 =	vmul.f32 $2.771281240e+01, v5  }
0x29f: {  	v5 =	vld [tilespmem:s16+$0xFFFFFC30];
	[tilespmem:s0+$0x40] =	vst v4;
	v4 =	vmul.f32 $2.771281240e+01, v6  }
0x2a0: {  	v6 =	vld [tilespmem:s16+$0xFFFFFC40];
	v7 =	vmul.f32 $2.771281240e+01, v7;
	[tilespmem:s0+$0x50] =	vst v3  }
0x2a1: {  	v3 =	vld [tilespmem:s16+$0xFFFFFC50];
	v10 =	vmul.f32 $2.771281240e+01, v10;
	[tilespmem:s0+$0x60] =	vst v4  }
0x2a2: {  	v4 =	vmul.f32 $2.771281240e+01, v8;
	v8 =	vld [tilespmem:s16+$0xFFFFFC60];
	[tilespmem:s0+$0xFFFFFC00] =	vst v7;
	s0 =	smov.u32 s16  }
0x2a3: {  	v7 =	vmul.f32 $2.771281240e+01, v9;
	v9 =	vld [tilespmem:s16+$0xFFFFFC70];
	[tilespmem:s16+$0x70] =	vst v10  }
0x2a4: {  	[tilespmem:s16+$0xFFFFFC10] =	vst v4;
	v4 =	vmul.f32 $2.771281240e+01, v5;
	v5 =	vld [tilespmem:s16+$0x0]  }
0x2a5: {  	[tilespmem:s16+$0xFFFFFC20] =	vst v7;
	v6 =	vmul.f32 $2.771281240e+01, v6;
	v7 =	vld [tilespmem:s16+$0x10]  }
0x2a6: {  	[tilespmem:s16+$0xFFFFFC30] =	vst v4;
	v4 =	vmul.f32 $2.771281240e+01, v3;
	v10 =	vld [tilespmem:s16+$0x20]  }
.Ltmp12:
0x2a7: {  	[tilespmem:s16+$0xFFFFFC40] =	vst v6;
	v6 =	vmul.f32 $2.771281240e+01, v8;
	v3 =	vld [tilespmem:s16+$0x30];
	(pc) =	sbr.rel @p0 .LBB2_27-.Ltmp12, $4  }
0x2a8: {  	[tilespmem:s16+$0xFFFFFC50] =	vst v4;
	v8 =	vmul.f32 $2.771281240e+01, v9;
	v4 =	vld [tilespmem:s16+$0x40]  }
0x2a9: {  	[tilespmem:s16+$0xFFFFFC60] =	vst v6;
	v9 =	vmul.f32 $2.771281240e+01, v5;
	v5 =	vld [tilespmem:s16+$0x50]  }
0x2aa: {  	[tilespmem:s16+$0xFFFFFC70] =	vst v8;
	v8 =	vmul.f32 $2.771281240e+01, v7;
	v6 =	vld [tilespmem:s16+$0x60]  }
0x2ab: {  	s16 =	sadd.s32 $0x800, s16;
	v7 =	vld [tilespmem:s0+$0xFFFFFC00];
	[tilespmem:s0+$0x0] =	vst v9;
	v9 =	vmul.f32 $2.771281240e+01, v10  }
0x2ac: {  	[tilespmem:s0+$0x10] =	vst v8;
	v3 =	vmul.f32 $2.771281240e+01, v3;
	s8 =	sadd.s32 $0x1, s8  }
0x2ad: {  	[tilespmem:s0+$0x20] =	vst v9;
	v4 =	vmul.f32 $2.771281240e+01, v4;
	p0 =	sne.s32 s8, $0x20  }
.Ltmp13:
0x2ae: {  	[tilespmem:s0+$0x30] =	vst v3;
	v3 =	vmul.f32 $2.771281240e+01, v5;
	(pc) =	sbr.rel @p0 .LBB2_26-.Ltmp13, $4  }
0x2af: {  	[tilespmem:s0+$0x40] =	vst v4;
	v62 =	vmul.f32 $2.771281240e+01, v6  }
0x2b0: {  	v63 =	vmul.f32 $2.771281240e+01, v7;
	[tilespmem:s0+$0x50] =	vst v3  }
0x2b1: {  	[tilespmem:s0+$0x60] =	vst v62  }
0x2b2: {  	s31 =	sadd.s32 $0x1, s31;
	[tilespmem:s0+$0xFFFFFC00] =	vst v63  }
0x2b3: {  	s31 =	simm.s32 $0x0;
	s0 =	rddreg [dreg:$0xa]  }
0x2b4: {  	[hbm4b:s0+s31] =	stream.linear.scatter [tilespmem:s2], [sflag:$0x7], $0x6000, $0x38;
	[tilespmem:$0x1E100] =	vst v63  }
0x2b5: {  	_ =	swait.ge [sflag:s22], $0x6000  }
0x2b6: {  	[sflag:s22] =	ssyncset.done $0x0  }
0x2b7: {  	s8 =	simm.s32 $0x0;
	[sflag:s22] =	ssyncadd.s32 $0xFFFFA000  }
.LBB2_30:
0x2b8: {  	s0 =	sshrl.u32 s8, $0x3  }
0x2b9: {  	s9 =	sand.u32 $0x7, s31;
	s0 =	smul.u32 $0x6000, s0  }
0x2ba: {  	s9 =	sshll.u32 s9, $0x9  }
0x2bb: {  	s0 =	sor.u32 s9, s0  }
0x2bc: {  	s0 =	sshra.s32 s0, $0x2  }
0x2bd: {  	s0 =	sadd.s32 $0xC500, s0  }
0x2be: {  	v3 =	vld [tilespmem:s0+$0x70]  }
0x2bf: {  	v4 =	vld [tilespmem:s0+$0xFFFFFC10]  }
0x2c0: {  	v5 =	vld [tilespmem:s0+$0xFFFFFC20]  }
0x2c1: {  	v6 =	vld [tilespmem:s0+$0xFFFFFC30]  }
0x2c2: {  	v7 =	vld [tilespmem:s0+$0xFFFFFC40]  }
0x2c3: {  	v8 =	vld [tilespmem:s0+$0xFFFFFC50];
	v3 =	vmul.f32 $2.771281240e+01, v3  }
0x2c4: {  	v9 =	vld [tilespmem:s0+$0xFFFFFC60];
	v4 =	vmul.f32 $2.771281240e+01, v4  }
0x2c5: {  	v10 =	vld [tilespmem:s0+$0xFFFFFC70];
	v5 =	vmul.f32 $2.771281240e+01, v5;
	[tilespmem:s0+$0x70] =	vst v3  }
0x2c6: {  	[tilespmem:s0+$0xFFFFFC10] =	vst v4;
	v3 =	vmul.f32 $2.771281240e+01, v6;
	v6 =	vld [tilespmem:s0+$0x0]  }
0x2c7: {  	[tilespmem:s0+$0xFFFFFC20] =	vst v5;
	v4 =	vmul.f32 $2.771281240e+01, v7;
	v7 =	vld [tilespmem:s0+$0x10]  }
0x2c8: {  	v11 =	vld [tilespmem:s0+$0x20];
	v5 =	vmul.f32 $2.771281240e+01, v8;
	[tilespmem:s0+$0xFFFFFC30] =	vst v3  }
0x2c9: {  	v8 =	vmul.f32 $2.771281240e+01, v9;
	[tilespmem:s0+$0xFFFFFC40] =	vst v4;
	v3 =	vld [tilespmem:s0+$0x30]  }
0x2ca: {  	v9 =	vmul.f32 $2.771281240e+01, v10;
	[tilespmem:s0+$0xFFFFFC50] =	vst v5;
	v4 =	vld [tilespmem:s0+$0x40]  }
0x2cb: {  	[tilespmem:s0+$0xFFFFFC60] =	vst v8;
	v5 =	vld [tilespmem:s0+$0x50];
	v10 =	vmul.f32 $2.771281240e+01, v6  }
0x2cc: {  	[tilespmem:s0+$0xFFFFFC70] =	vst v9;
	v6 =	vld [tilespmem:s0+$0x60];
	v8 =	vmul.f32 $2.771281240e+01, v7  }
0x2cd: {  	s9 =	simm.s32 $0x0;
	s16 =	sadd.s32 $0x800, s0;
	v9 =	vmul.f32 $2.771281240e+01, v11;
	v7 =	vld [tilespmem:s0+$0xFFFFFC00];
	[tilespmem:s0+$0x0] =	vst v10  }
.LBB2_31:
0x2ce: {  	v10 =	vld [tilespmem:s16+$0x70];
	s9 =	sadd.s32 $0x10, s9;
	[tilespmem:s0+$0x10] =	vst v8;
	v3 =	vmul.f32 $2.771281240e+01, v3  }
0x2cf: {  	v8 =	vld [tilespmem:s16+$0xFFFFFC10];
	p0 =	slt.u32 s9, $0x20;
	[tilespmem:s0+$0x20] =	vst v9;
	v4 =	vmul.f32 $2.771281240e+01, v4  }
0x2d0: {  	v9 =	vld [tilespmem:s16+$0xFFFFFC20];
	[tilespmem:s0+$0x30] =	vst v3;
	v3 =	vmul.f32 $2.771281240e+01, v5  }
0x2d1: {  	v5 =	vld [tilespmem:s16+$0xFFFFFC30];
	[tilespmem:s0+$0x40] =	vst v4;
	v4 =	vmul.f32 $2.771281240e+01, v6  }
0x2d2: {  	v6 =	vld [tilespmem:s16+$0xFFFFFC40];
	v7 =	vmul.f32 $2.771281240e+01, v7;
	[tilespmem:s0+$0x50] =	vst v3  }
0x2d3: {  	v3 =	vld [tilespmem:s16+$0xFFFFFC50];
	v10 =	vmul.f32 $2.771281240e+01, v10;
	[tilespmem:s0+$0x60] =	vst v4  }
0x2d4: {  	v4 =	vmul.f32 $2.771281240e+01, v8;
	v8 =	vld [tilespmem:s16+$0xFFFFFC60];
	[tilespmem:s0+$0xFFFFFC00] =	vst v7;
	s0 =	smov.u32 s16  }
0x2d5: {  	v7 =	vmul.f32 $2.771281240e+01, v9;
	v9 =	vld [tilespmem:s16+$0xFFFFFC70];
	[tilespmem:s16+$0x70] =	vst v10  }
0x2d6: {  	[tilespmem:s16+$0xFFFFFC10] =	vst v4;
	v4 =	vmul.f32 $2.771281240e+01, v5;
	v5 =	vld [tilespmem:s16+$0x0]  }
0x2d7: {  	[tilespmem:s16+$0xFFFFFC20] =	vst v7;
	v6 =	vmul.f32 $2.771281240e+01, v6;
	v7 =	vld [tilespmem:s16+$0x10]  }
0x2d8: {  	[tilespmem:s16+$0xFFFFFC30] =	vst v4;
	v4 =	vmul.f32 $2.771281240e+01, v3;
	v10 =	vld [tilespmem:s16+$0x20]  }
.Ltmp14:
0x2d9: {  	[tilespmem:s16+$0xFFFFFC40] =	vst v6;
	v6 =	vmul.f32 $2.771281240e+01, v8;
	v3 =	vld [tilespmem:s16+$0x30];
	(pc) =	sbr.rel @p0 .LBB2_31-.Ltmp14, $4  }
0x2da: {  	[tilespmem:s16+$0xFFFFFC50] =	vst v4;
	v8 =	vmul.f32 $2.771281240e+01, v9;
	v4 =	vld [tilespmem:s16+$0x40]  }
0x2db: {  	[tilespmem:s16+$0xFFFFFC60] =	vst v6;
	v9 =	vmul.f32 $2.771281240e+01, v5;
	v5 =	vld [tilespmem:s16+$0x50]  }
0x2dc: {  	[tilespmem:s16+$0xFFFFFC70] =	vst v8;
	v8 =	vmul.f32 $2.771281240e+01, v7;
	v6 =	vld [tilespmem:s16+$0x60]  }
0x2dd: {  	s16 =	sadd.s32 $0x800, s16;
	v7 =	vld [tilespmem:s0+$0xFFFFFC00];
	[tilespmem:s0+$0x0] =	vst v9;
	v9 =	vmul.f32 $2.771281240e+01, v10  }
0x2de: {  	[tilespmem:s0+$0x10] =	vst v8;
	v3 =	vmul.f32 $2.771281240e+01, v3;
	s8 =	sadd.s32 $0x1, s8  }
0x2df: {  	[tilespmem:s0+$0x20] =	vst v9;
	v4 =	vmul.f32 $2.771281240e+01, v4;
	p0 =	sne.s32 s8, $0x20  }
.Ltmp15:
0x2e0: {  	[tilespmem:s0+$0x30] =	vst v3;
	v3 =	vmul.f32 $2.771281240e+01, v5;
	(pc) =	sbr.rel @p0 .LBB2_30-.Ltmp15, $4  }
0x2e1: {  	[tilespmem:s0+$0x40] =	vst v4;
	v62 =	vmul.f32 $2.771281240e+01, v6  }
0x2e2: {  	v63 =	vmul.f32 $2.771281240e+01, v7;
	[tilespmem:s0+$0x50] =	vst v3  }
0x2e3: {  	[tilespmem:s0+$0x60] =	vst v62  }
0x2e4: {  	s31 =	sadd.s32 $0x1, s31;
	[tilespmem:s0+$0xFFFFFC00] =	vst v63  }
0x2e5: {  	s0 =	rddreg [dreg:$0xb]  }
0x2e6: {  	[hbm4b:s0+s3] =	stream.linear.scatter [tilespmem:s4], [sflag:$0x8], $0x6000, $0x38;
	[tilespmem:$0x1E100] =	vst v63  }
0x2e7: {  	_ =	swait.ge [sflag:s28], $0x6000  }
0x2e8: {  	[sflag:s28] =	ssyncset.done $0x0  }
0x2e9: {  	[sflag:s28] =	ssyncadd.s32 $0xFFFFA000  }
0x2ea: {  	_ =	swait.ge [sflag:s29], $0x6000  }
0x2eb: {  	[sflag:s29] =	ssyncset.done $0x0  }
0x2ec: {  	[sflag:s29] =	ssyncadd.s32 $0xFFFFA000  }
0x2ed: {  	_ =	swait.ge [sflag:s15], $0x6000  }
0x2ee: {  	[sflag:s15] =	ssyncset.done $0x0  }
0x2ef: {  	[sflag:s15] =	ssyncadd.s32 $0xFFFFA000  }
0x2f0: {  	_ =	swait.ge [sflag:s24], $0x6000  }
0x2f1: {  	[sflag:s24] =	ssyncset.done $0x0  }
0x2f2: {  	[sflag:s24] =	ssyncadd.s32 $0xFFFFA000  }
0x2f3: {  	_ =	swait.ge [sflag:s26], $0x6000  }
0x2f4: {  	s30 =	sadd.s32 $0x1, s30;
	s31 =	rddreg [dreg:$0xc]  }
0x2f5: {  	p0 =	sne.s32 s30, s31  }
.Ltmp16:
0x2f6: {  	_ = 	snop;
	(pc) =	sbr.rel @p0 .LBB2_1-.Ltmp16, $3  }
0x2f7: {  	_ =	sdelay $0x1  }
0x2f8: {  	[sflag:s26] =	ssyncset.done $0x0  }
0x2f9: {  	[sflag:s26] =	ssyncadd.s32 $0xFFFFA000  }
0x2fa: {  	_ =	sfence.sel $0x180000  }
0x2fb: {  	[bflag:$0x0] =	sbarrier.arrive $0xFFFF  }
0x2fc: {  	_ =	strace $0x90000047  }
0x2fd: {  	s0 =	stileid.u32;
	[bflag:$0x2] =	sbarrier.arrive $0xFFFF  }
0x2fe: {  	p0 =	sne.s32 s0, $0x0;
	s0 =	rddreg [dreg:$0x3]  }
0x2ff: {  	s0 =	sadd.s32 @!p0 $0x100000, s0  }
0x300: {  	[sflag:s0] =	ssyncadd.tile.s32 @!p0 $0x1;
	_ =	shalt  }
.Lfunc_end2:
_tile_overlayer_lowered:
.L_overlay_start_2:
0x301: {  	(tag) =	ssettag $0x2  }
0x302: {  	s0 =	rddreg [dreg:$0x0];
	s2 =	stileid.u32  }
0x303: {  	s1 =	rddreg [dreg:$0x1];
	p0 =	sne.s32 s2, $0x0  }
0x304: {  	s3 =	rddreg [dreg:$0x2];
	[bflag:$0x3] =	sbarrier.arrive $0xFFFF;
	s2 =	simm.s32 @!p0 $0x1C0B  }
0x305: {  	[timem:s3], [sflag:s2] =	dma.local @!p0 [hbm:s0], s1  }
0x306: {  	s0 =	simm.s32 @!p0 $0xB  }
0x307: {  	_ =	swait.ge @!p0 [sflag:s0], s1  }
0x308: {  	s1 =	ssub.s32 @!p0 $0x0, s1;
	[sflag:s0] =	ssyncset.done @!p0 $0x0  }
0x309: {  	[sflag:s0] =	ssyncadd.s32 @!p0 s1  }
0x30a: {  	[bflag:$0x3] =	sbarrier.arrive $0xFFFF  }
0x30b: {  	_ =	shalt  }

</sc_bundles>
